<compile_context>
chip_gen: v7x
topology: tpu7x:2x2x1
jax: 0.10.2.dev20260603
libtpu: 0.0.44.dev20260713+nightly
codegen_flags: <defaults>
</compile_context>

<pallas_src>
import functools

import jax
import jax.numpy as jnp
from jax import lax
from jax.experimental import pallas as pl
from jax.experimental.pallas import tpu as pltpu
from jax.experimental.pallas import tpu_sc as plsc

_N = 10000
_E = 320000
_D = 128
_NP = 10240
_NC = 2
_NS = 16
_NW = _NC * _NS
_EB = _E // 128
_EBUF = 79 * 128
_L = 16
_UNROLL = 8
_SPLIT = 40 * 128
_SVREG = _SPLIT // _L

_mesh = plsc.VectorSubcoreMesh(core_axis_name="c", subcore_axis_name="s")
_sc_params = pltpu.CompilerParams(needs_layout_passes=False)


def _edge_range(wid):
    blk_s = (_EB * wid) // _NW
    blk_e = (_EB * (wid + 1)) // _NW
    base = pl.multiple_of(blk_s * 128, 128)
    nvreg = (blk_e - blk_s) * (128 // _L)
    return base, nvreg


def _zero_vmem(ref, n):
    z = jnp.zeros((_L,), jnp.float32)

    def body(i, carry):
        for u in range(8):
            ref[pl.ds((i * 8 + u) * _L, _L)] = z
        return carry

    lax.fori_loop(0, n // (8 * _L), body, 0)


@functools.partial(
    pl.kernel,
    out_type=jax.ShapeDtypeStruct((_NW, _NP), jnp.float32),
    mesh=_mesh,
    scratch_types=[
        pltpu.VMEM((2, _EBUF), jnp.int32),
        pltpu.VMEM((_NP,), jnp.float32),
        pltpu.SemaphoreType.DMA,
        pltpu.SemaphoreType.DMA,
    ],
    compiler_params=_sc_params,
)
def _hist(edge_hbm, part_hbm, e_v, hist_v, sem_a, sem_b):
    cid = lax.axis_index("c")
    sid = lax.axis_index("s")
    wid = sid * _NC + cid
    base, nvreg = _edge_range(wid)
    cp_a = pltpu.async_copy(edge_hbm.at[:, pl.ds(base, _SPLIT)],
                            e_v.at[:, pl.ds(0, _SPLIT)], sem_a)
    cp_b = pltpu.async_copy(
        edge_hbm.at[:, pl.ds(base + _SPLIT, _EBUF - _SPLIT)],
        e_v.at[:, pl.ds(_SPLIT, _EBUF - _SPLIT)], sem_b)
    _zero_vmem(hist_v, _NP)
    cp_a.wait()
    one = jnp.ones((_L,), jnp.float32)

    def body(i):
        idx = e_v[1, pl.ds(i * _L, _L)]
        plsc.addupdate_scatter(hist_v, [idx], one)

    plsc.parallel_loop(0, _SVREG, unroll=_UNROLL)(body)
    cp_b.wait()
    plsc.parallel_loop(_SVREG, nvreg, unroll=_UNROLL)(body)
    pltpu.sync_copy(hist_v, part_hbm.at[wid])


@functools.partial(
    pl.kernel,
    out_type=jax.ShapeDtypeStruct((_NW, _NP), jnp.float32),
    mesh=_mesh,
    scratch_types=[
        pltpu.VMEM((_NP,), jnp.float32),
        pltpu.VMEM((2, _EBUF), jnp.int32),
        pltpu.VMEM((_NP,), jnp.float32),
        pltpu.SemaphoreType.DMA,
        pltpu.SemaphoreType.DMA,
        pltpu.SemaphoreType.DMA,
    ],
    compiler_params=_sc_params,
)
def _edge_scatter(edge_hbm, g_hbm, part_hbm, g_v, e_v, acc_v,
                  sem_g, sem_a, sem_b):
    cid = lax.axis_index("c")
    sid = lax.axis_index("s")
    wid = sid * _NC + cid
    base, nvreg = _edge_range(wid)
    cp_g = pltpu.async_copy(g_hbm, g_v, sem_g)
    cp_a = pltpu.async_copy(edge_hbm.at[:, pl.ds(base, _SPLIT)],
                            e_v.at[:, pl.ds(0, _SPLIT)], sem_a)
    cp_b = pltpu.async_copy(
        edge_hbm.at[:, pl.ds(base + _SPLIT, _EBUF - _SPLIT)],
        e_v.at[:, pl.ds(_SPLIT, _EBUF - _SPLIT)], sem_b)
    _zero_vmem(acc_v, _NP)
    cp_g.wait()
    cp_a.wait()

    def body(i):
        off = i * _L
        sidx = e_v[0, pl.ds(off, _L)]
        didx = e_v[1, pl.ds(off, _L)]
        vals = plsc.load_gather(g_v, [sidx])
        plsc.addupdate_scatter(acc_v, [didx], vals)

    plsc.parallel_loop(0, _SVREG, unroll=_UNROLL)(body)
    cp_b.wait()
    plsc.parallel_loop(_SVREG, nvreg, unroll=_UNROLL)(body)
    pltpu.sync_copy(acc_v, part_hbm.at[wid])


def _matvec_body(x_ref, w_ref, y_ref):
    y = jnp.dot(x_ref[...], w_ref[...],
                preferred_element_type=jnp.float32)[:, 0]
    y_ref[...] = jnp.concatenate([y, jnp.zeros((_NP - _N,), jnp.float32)])


_matvec = pl.pallas_call(
    _matvec_body,
    out_shape=jax.ShapeDtypeStruct((_NP,), jnp.float32),
)


def _norm_body(degp_ref, y_ref, g_ref, dinv_ref, h_ref):
    deg = jnp.sum(degp_ref[...], axis=0) + 1.0
    dinv = lax.rsqrt(deg)
    g = dinv * y_ref[...]
    g_ref[...] = g
    dinv_ref[...] = dinv
    h_ref[...] = dinv * g


_norm = pl.pallas_call(
    _norm_body,
    out_shape=(
        jax.ShapeDtypeStruct((_NP,), jnp.float32),
        jax.ShapeDtypeStruct((_NP,), jnp.float32),
        jax.ShapeDtypeStruct((_NP,), jnp.float32),
    ),
)


def _final_body(accp_ref, dinv_ref, h_ref, out_ref):
    acc = jnp.sum(accp_ref[...], axis=0)
    out = dinv_ref[...] * acc + h_ref[...]
    out_ref[...] = out[:_N]


_final = pl.pallas_call(
    _final_body,
    out_shape=jax.ShapeDtypeStruct((_N,), jnp.float32),
)


def kernel(x, edge_index, W):
    y = _matvec(x, W)
    deg_part = _hist(edge_index)
    g, dinv, h = _norm(deg_part, y)
    acc_part = _edge_scatter(edge_index, g)
    return _final(acc_part, dinv, h)

# --- scband reference (transcript-rebuilt; emitter-appended) ---
"""Pipeline reference for scband-model-gcn-13151189860858 (READ-ONLY COPY).

The authoritative reference and input builder live on the scoring server;
editing this copy changes nothing except your own understanding.
"""

import jax, jax.numpy as jnp
import numpy as np

N = 10000
E = 320000
D = 128
OUT = 1


def setup_inputs(seed: int = 0) -> dict:
    key = jax.random.key(seed)
    k1, k2, k3 = jax.random.split(key, 3)
    x = jax.random.normal(k1, (N, D), dtype=jnp.float32)
    edge_index = jax.random.randint(k2, (2, E), 0, N, dtype=jnp.int32)
    # GCNConv linear weight, bias=False: W maps d -> out_d
    W = jax.random.normal(k3, (D, OUT), dtype=jnp.float32) * (1.0 / np.sqrt(D))
    return {"x": x, "edge_index": edge_index, "W": W}


def reference(x, edge_index, W):
    # Faithful GCNConv (torch_geometric) with add_self_loops=True, normalize=True, bias=False
    n = x.shape[0]
    src = edge_index[0]
    dst = edge_index[1]
    loop = jnp.arange(n, dtype=src.dtype)
    src2 = jnp.concatenate([src, loop])
    dst2 = jnp.concatenate([dst, loop])
    # symmetric normalization: deg computed on destination nodes (with self loops)
    deg = jax.ops.segment_sum(jnp.ones(src2.shape[0], dtype=x.dtype), dst2, num_segments=n)
    dinv = jnp.where(deg > 0, 1.0 / jnp.sqrt(deg), 0.0)
    norm = dinv[src2] * dinv[dst2]
    xw = x @ W  # linear transform first (out_d < d)
    msg = jnp.take(xw, src2, axis=0) * norm[:, None]  # gather + scale
    out = jax.ops.segment_sum(msg, dst2, num_segments=n)  # scatter-add aggregate
    return out.squeeze(-1)

if __name__ == "__main__":
    import jax
    _d = setup_inputs()
    print(jax.jit(kernel)(*tuple(_d.values())))

</pallas_src>

<mosaic_0001>
#map = affine_map<(d0, d1) -> (0, 0)>
#map1 = affine_map<(d0, d1) -> (0)>
module attributes {stable_mosaic.version = 14 : i64} {
  func.func @_edge_scatter(%arg0: i32, %arg1: i32, %arg2: memref<2x320000xi32, #tpu.memory_space<hbm>>, %arg3: memref<10240xf32, #tpu.memory_space<hbm>>, %arg4: memref<32x10240xf32, #tpu.memory_space<hbm>>, %arg5: memref<10240xf32, #tpu.memory_space<vmem>>, %arg6: memref<2x10112xi32, #tpu.memory_space<vmem>>, %arg7: memref<10240xf32, #tpu.memory_space<vmem>>, %arg8: memref<!tpu.dma_semaphore, #tpu.memory_space<semaphore_mem>>, %arg9: memref<!tpu.dma_semaphore, #tpu.memory_space<semaphore_mem>>, %arg10: memref<!tpu.dma_semaphore, #tpu.memory_space<semaphore_mem>>) attributes {dimension_semantics = [#tpu.dimension_semantics<core_parallel>, #tpu.dimension_semantics<subcore_parallel>], iteration_bounds = array<i64: 2, 16>, scalar_prefetch = 0 : i64, scratch_operands = 6 : i64, tpu.core_type = #tpu.core_type<sc_vector_subcore>, window_params = [{transform_indices = #map}, {transform_indices = #map1}, {transform_indices = #map}]} {
    %mul3A = arith.constant 2 : i32
    %mul3A_0 = arith.muli %arg1, %mul3A : i32
    %add3A = arith.addi %mul3A_0, %arg0 : i32
    %mul3A_1 = arith.constant 2500 : i32
    %mul3A_2 = arith.muli %mul3A_1, %add3A : i32
    %jit3A = arith.constant 32 : i32
    %div3A = arith.divsi %mul3A_2, %jit3A : i32
    %sign3A = arith.constant 0 : i32
    %sign3A_3 = arith.cmpi sgt, %mul3A_2, %sign3A : i32
    %sign3A_4 = arith.extui %sign3A_3 : i1 to i32
    %sign3A_5 = arith.constant 0 : i32
    %sign3A_6 = arith.cmpi slt, %mul3A_2, %sign3A_5 : i32
    %sign3A_7 = arith.extui %sign3A_6 : i1 to i32
    %sign3A_8 = arith.subi %sign3A_4, %sign3A_7 : i32
    %sign3A_9 = arith.constant 0 : i32
    %sign3A_10 = arith.cmpi sgt, %jit3A, %sign3A_9 : i32
    %sign3A_11 = arith.extui %sign3A_10 : i1 to i32
    %sign3A_12 = arith.constant 0 : i32
    %sign3A_13 = arith.cmpi slt, %jit3A, %sign3A_12 : i32
    %sign3A_14 = arith.extui %sign3A_13 : i1 to i32
    %sign3A_15 = arith.subi %sign3A_11, %sign3A_14 : i32
    %ne3A = arith.cmpi ne, %sign3A_8, %sign3A_15 : i32
    %rem3A = arith.remsi %mul3A_2, %jit3A : i32
    %ne3A_16 = arith.constant 0 : i32
    %ne3A_17 = arith.cmpi ne, %rem3A, %ne3A_16 : i32
    %and3A = arith.andi %ne3A, %ne3A_17 : i1
    %sub3A = arith.constant 1 : i32
    %sub3A_18 = arith.subi %div3A, %sub3A : i32
    %select_n3A = arith.select %and3A, %sub3A_18, %div3A : i32
    %add3A_19 = arith.constant 1 : i32
    %add3A_20 = arith.addi %add3A, %add3A_19 : i32
    %mul3A_21 = arith.constant 2500 : i32
    %mul3A_22 = arith.muli %mul3A_21, %add3A_20 : i32
    %jit3A_23 = arith.constant 32 : i32
    %div3A_24 = arith.divsi %mul3A_22, %jit3A_23 : i32
    %sign3A_25 = arith.constant 0 : i32
    %sign3A_26 = arith.cmpi sgt, %mul3A_22, %sign3A_25 : i32
    %sign3A_27 = arith.extui %sign3A_26 : i1 to i32
    %sign3A_28 = arith.constant 0 : i32
    %sign3A_29 = arith.cmpi slt, %mul3A_22, %sign3A_28 : i32
    %sign3A_30 = arith.extui %sign3A_29 : i1 to i32
    %sign3A_31 = arith.subi %sign3A_27, %sign3A_30 : i32
    %sign3A_32 = arith.constant 0 : i32
    %sign3A_33 = arith.cmpi sgt, %jit3A_23, %sign3A_32 : i32
    %sign3A_34 = arith.extui %sign3A_33 : i1 to i32
    %sign3A_35 = arith.constant 0 : i32
    %sign3A_36 = arith.cmpi slt, %jit3A_23, %sign3A_35 : i32
    %sign3A_37 = arith.extui %sign3A_36 : i1 to i32
    %sign3A_38 = arith.subi %sign3A_34, %sign3A_37 : i32
    %ne3A_39 = arith.cmpi ne, %sign3A_31, %sign3A_38 : i32
    %rem3A_40 = arith.remsi %mul3A_22, %jit3A_23 : i32
    %ne3A_41 = arith.constant 0 : i32
    %ne3A_42 = arith.cmpi ne, %rem3A_40, %ne3A_41 : i32
    %and3A_43 = arith.andi %ne3A_39, %ne3A_42 : i1
    %sub3A_44 = arith.constant 1 : i32
    %sub3A_45 = arith.subi %div3A_24, %sub3A_44 : i32
    %select_n3A_46 = arith.select %and3A_43, %sub3A_45, %div3A_24 : i32
    %mul3A_47 = arith.constant 128 : i32
    %mul3A_48 = arith.muli %select_n3A, %mul3A_47 : i32
    %multiple_of3A = tpu.assume_multiple %mul3A_48, 128 : i32
    %sub3A_49 = arith.subi %select_n3A_46, %select_n3A : i32
    %mul3A_50 = arith.constant 8 : i32
    %mul3A_51 = arith.muli %sub3A_49, %mul3A_50 : i32
    tpu.enqueue_dma source(%arg3 : memref<10240xf32, #tpu.memory_space<hbm>>) target(%arg5 : memref<10240xf32, #tpu.memory_space<vmem>>) target_semaphore(%arg8 : memref<!tpu.dma_semaphore, #tpu.memory_space<semaphore_mem>>)
    %dma_start3A = arith.constant 0 : i32
    %dma_start3A_52 = arith.constant 0 : i32
    %dma_start3A_53 = tpu.memref_slice %arg6[%dma_start3A, %dma_start3A_52] : memref<2x10112xi32, #tpu.memory_space<vmem>> -> memref<2x5120xi32, #tpu.memory_space<vmem>>
    %dma_start3A_54 = arith.constant 0 : i32
    %dma_start3A_55 = tpu.memref_slice %arg2[%dma_start3A_54, %multiple_of3A] : memref<2x320000xi32, #tpu.memory_space<hbm>> -> memref<2x5120xi32, #tpu.memory_space<hbm>>
    %dma_start3A_56 = arith.constant 0 : i32
    %dma_start3A_57 = arith.constant 0 : i32
    %dma_start3A_58 = tpu.memref_slice %arg6[%dma_start3A_56, %dma_start3A_57] : memref<2x10112xi32, #tpu.memory_space<vmem>> -> memref<2x5120xi32, #tpu.memory_space<vmem>>
    %dma_start3A_59 = arith.constant 0 : i32
    %dma_start3A_60 = tpu.memref_slice %arg2[%dma_start3A_59, %multiple_of3A] : memref<2x320000xi32, #tpu.memory_space<hbm>> -> memref<2x5120xi32, #tpu.memory_space<hbm>>
    tpu.enqueue_dma source(%dma_start3A_60 : memref<2x5120xi32, #tpu.memory_space<hbm>>) target(%dma_start3A_58 : memref<2x5120xi32, #tpu.memory_space<vmem>>) target_semaphore(%arg9 : memref<!tpu.dma_semaphore, #tpu.memory_space<semaphore_mem>>)
    %add3A_61 = arith.constant 5120 : i32
    %add3A_62 = arith.addi %multiple_of3A, %add3A_61 : i32
    %dma_start3A_63 = arith.constant 0 : i32
    %dma_start3A_64 = arith.constant 5120 : i32
    %dma_start3A_65 = tpu.memref_slice %arg6[%dma_start3A_63, %dma_start3A_64] : memref<2x10112xi32, #tpu.memory_space<vmem>> -> memref<2x4992xi32, #tpu.memory_space<vmem>>
    %dma_start3A_66 = arith.constant 0 : i32
    %dma_start3A_67 = tpu.memref_slice %arg2[%dma_start3A_66, %add3A_62] : memref<2x320000xi32, #tpu.memory_space<hbm>> -> memref<2x4992xi32, #tpu.memory_space<hbm>>
    %dma_start3A_68 = arith.constant 0 : i32
    %dma_start3A_69 = arith.constant 5120 : i32
    %dma_start3A_70 = tpu.memref_slice %arg6[%dma_start3A_68, %dma_start3A_69] : memref<2x10112xi32, #tpu.memory_space<vmem>> -> memref<2x4992xi32, #tpu.memory_space<vmem>>
    %dma_start3A_71 = arith.constant 0 : i32
    %dma_start3A_72 = tpu.memref_slice %arg2[%dma_start3A_71, %add3A_62] : memref<2x320000xi32, #tpu.memory_space<hbm>> -> memref<2x4992xi32, #tpu.memory_space<hbm>>
    tpu.enqueue_dma source(%dma_start3A_72 : memref<2x4992xi32, #tpu.memory_space<hbm>>) target(%dma_start3A_70 : memref<2x4992xi32, #tpu.memory_space<vmem>>) target_semaphore(%arg10 : memref<!tpu.dma_semaphore, #tpu.memory_space<semaphore_mem>>)
    %broadcast_in_dim3A = arith.constant 0.000000e+00 : f32
    %broadcast_in_dim3A_73 = vector.broadcast %broadcast_in_dim3A : f32 to vector<16xf32>
    %scan3A = arith.constant 0 : i32
    %scan3A_74 = arith.constant 0 : i32
    %scan3A_75 = arith.constant 80 : i32
    %scan3A_76 = arith.addi %scan3A_74, %scan3A_75 : i32
    %scan3A_77 = arith.constant 1 : i32
    scf.for %scan3A_102 = %scan3A_74 to %scan3A_76 step %scan3A_77  : i32 {
      %mul3A_103 = arith.constant 8 : i32
      %mul3A_104 = arith.muli %scan3A_102, %mul3A_103 : i32
      %add3A_105 = arith.constant 0 : i32
      %add3A_106 = arith.addi %mul3A_104, %add3A_105 : i32
      %mul3A_107 = arith.constant 16 : i32
      %mul3A_108 = arith.muli %add3A_106, %mul3A_107 : i32
      %swap3A = arith.index_cast %mul3A_108 : i32 to index
      %swap3A_109 = tpu.vector_load %arg7[%swap3A] {strides = array<i32>} : memref<10240xf32, #tpu.memory_space<vmem>>, vector<16xf32>,
      tpu.vector_store %arg7[%swap3A], %broadcast_in_dim3A_73 {strides = array<i32>} : memref<10240xf32, #tpu.memory_space<vmem>>, vector<16xf32>,
      %mul3A_110 = arith.constant 8 : i32
      %mul3A_111 = arith.muli %scan3A_102, %mul3A_110 : i32
      %add3A_112 = arith.constant 1 : i32
      %add3A_113 = arith.addi %mul3A_111, %add3A_112 : i32
      %mul3A_114 = arith.constant 16 : i32
      %mul3A_115 = arith.muli %add3A_113, %mul3A_114 : i32
      %swap3A_116 = arith.index_cast %mul3A_115 : i32 to index
      %swap3A_117 = tpu.vector_load %arg7[%swap3A_116] {strides = array<i32>} : memref<10240xf32, #tpu.memory_space<vmem>>, vector<16xf32>,
      tpu.vector_store %arg7[%swap3A_116], %broadcast_in_dim3A_73 {strides = array<i32>} : memref<10240xf32, #tpu.memory_space<vmem>>, vector<16xf32>,
      %mul3A_118 = arith.constant 8 : i32
      %mul3A_119 = arith.muli %scan3A_102, %mul3A_118 : i32
      %add3A_120 = arith.constant 2 : i32
      %add3A_121 = arith.addi %mul3A_119, %add3A_120 : i32
      %mul3A_122 = arith.constant 16 : i32
      %mul3A_123 = arith.muli %add3A_121, %mul3A_122 : i32
      %swap3A_124 = arith.index_cast %mul3A_123 : i32 to index
      %swap3A_125 = tpu.vector_load %arg7[%swap3A_124] {strides = array<i32>} : memref<10240xf32, #tpu.memory_space<vmem>>, vector<16xf32>,
      tpu.vector_store %arg7[%swap3A_124], %broadcast_in_dim3A_73 {strides = array<i32>} : memref<10240xf32, #tpu.memory_space<vmem>>, vector<16xf32>,
      %mul3A_126 = arith.constant 8 : i32
      %mul3A_127 = arith.muli %scan3A_102, %mul3A_126 : i32
      %add3A_128 = arith.constant 3 : i32
      %add3A_129 = arith.addi %mul3A_127, %add3A_128 : i32
      %mul3A_130 = arith.constant 16 : i32
      %mul3A_131 = arith.muli %add3A_129, %mul3A_130 : i32
      %swap3A_132 = arith.index_cast %mul3A_131 : i32 to index
      %swap3A_133 = tpu.vector_load %arg7[%swap3A_132] {strides = array<i32>} : memref<10240xf32, #tpu.memory_space<vmem>>, vector<16xf32>,
      tpu.vector_store %arg7[%swap3A_132], %broadcast_in_dim3A_73 {strides = array<i32>} : memref<10240xf32, #tpu.memory_space<vmem>>, vector<16xf32>,
      %mul3A_134 = arith.constant 8 : i32
      %mul3A_135 = arith.muli %scan3A_102, %mul3A_134 : i32
      %add3A_136 = arith.constant 4 : i32
      %add3A_137 = arith.addi %mul3A_135, %add3A_136 : i32
      %mul3A_138 = arith.constant 16 : i32
      %mul3A_139 = arith.muli %add3A_137, %mul3A_138 : i32
      %swap3A_140 = arith.index_cast %mul3A_139 : i32 to index
      %swap3A_141 = tpu.vector_load %arg7[%swap3A_140] {strides = array<i32>} : memref<10240xf32, #tpu.memory_space<vmem>>, vector<16xf32>,
      tpu.vector_store %arg7[%swap3A_140], %broadcast_in_dim3A_73 {strides = array<i32>} : memref<10240xf32, #tpu.memory_space<vmem>>, vector<16xf32>,
      %mul3A_142 = arith.constant 8 : i32
      %mul3A_143 = arith.muli %scan3A_102, %mul3A_142 : i32
      %add3A_144 = arith.constant 5 : i32
      %add3A_145 = arith.addi %mul3A_143, %add3A_144 : i32
      %mul3A_146 = arith.constant 16 : i32
      %mul3A_147 = arith.muli %add3A_145, %mul3A_146 : i32
      %swap3A_148 = arith.index_cast %mul3A_147 : i32 to index
      %swap3A_149 = tpu.vector_load %arg7[%swap3A_148] {strides = array<i32>} : memref<10240xf32, #tpu.memory_space<vmem>>, vector<16xf32>,
      tpu.vector_store %arg7[%swap3A_148], %broadcast_in_dim3A_73 {strides = array<i32>} : memref<10240xf32, #tpu.memory_space<vmem>>, vector<16xf32>,
      %mul3A_150 = arith.constant 8 : i32
      %mul3A_151 = arith.muli %scan3A_102, %mul3A_150 : i32
      %add3A_152 = arith.constant 6 : i32
      %add3A_153 = arith.addi %mul3A_151, %add3A_152 : i32
      %mul3A_154 = arith.constant 16 : i32
      %mul3A_155 = arith.muli %add3A_153, %mul3A_154 : i32
      %swap3A_156 = arith.index_cast %mul3A_155 : i32 to index
      %swap3A_157 = tpu.vector_load %arg7[%swap3A_156] {strides = array<i32>} : memref<10240xf32, #tpu.memory_space<vmem>>, vector<16xf32>,
      tpu.vector_store %arg7[%swap3A_156], %broadcast_in_dim3A_73 {strides = array<i32>} : memref<10240xf32, #tpu.memory_space<vmem>>, vector<16xf32>,
      %mul3A_158 = arith.constant 8 : i32
      %mul3A_159 = arith.muli %scan3A_102, %mul3A_158 : i32
      %add3A_160 = arith.constant 7 : i32
      %add3A_161 = arith.addi %mul3A_159, %add3A_160 : i32
      %mul3A_162 = arith.constant 16 : i32
      %mul3A_163 = arith.muli %add3A_161, %mul3A_162 : i32
      %swap3A_164 = arith.index_cast %mul3A_163 : i32 to index
      %swap3A_165 = tpu.vector_load %arg7[%swap3A_164] {strides = array<i32>} : memref<10240xf32, #tpu.memory_space<vmem>>, vector<16xf32>,
      tpu.vector_store %arg7[%swap3A_164], %broadcast_in_dim3A_73 {strides = array<i32>} : memref<10240xf32, #tpu.memory_space<vmem>>, vector<16xf32>,
    }
    %scan3A_78 = arith.constant 80 : i32
    tpu.wait_dma2 semaphore(%arg8 : memref<!tpu.dma_semaphore, #tpu.memory_space<semaphore_mem>>) src(%arg3 : memref<10240xf32, #tpu.memory_space<hbm>>) dst(%arg5 : memref<10240xf32, #tpu.memory_space<vmem>>)
    %dma_wait3A = arith.constant 0 : i32
    %dma_wait3A_79 = arith.constant 0 : i32
    %dma_wait3A_80 = tpu.memref_slice %arg6[%dma_wait3A, %dma_wait3A_79] : memref<2x10112xi32, #tpu.memory_space<vmem>> -> memref<2x5120xi32, #tpu.memory_space<vmem>>
    %dma_wait3A_81 = arith.constant 0 : i32
    %dma_wait3A_82 = tpu.memref_slice %arg2[%dma_wait3A_81, %multiple_of3A] : memref<2x320000xi32, #tpu.memory_space<hbm>> -> memref<2x5120xi32, #tpu.memory_space<hbm>>
    %dma_wait3A_83 = arith.constant 0 : i32
    %dma_wait3A_84 = arith.constant 0 : i32
    %dma_wait3A_85 = tpu.memref_slice %arg6[%dma_wait3A_83, %dma_wait3A_84] : memref<2x10112xi32, #tpu.memory_space<vmem>> -> memref<2x5120xi32, #tpu.memory_space<vmem>>
    %dma_wait3A_86 = arith.constant 0 : i32
    %dma_wait3A_87 = tpu.memref_slice %arg2[%dma_wait3A_86, %multiple_of3A] : memref<2x320000xi32, #tpu.memory_space<hbm>> -> memref<2x5120xi32, #tpu.memory_space<hbm>>
    tpu.wait_dma2 semaphore(%arg9 : memref<!tpu.dma_semaphore, #tpu.memory_space<semaphore_mem>>) src(%dma_wait3A_87 : memref<2x5120xi32, #tpu.memory_space<hbm>>) dst(%dma_wait3A_85 : memref<2x5120xi32, #tpu.memory_space<vmem>>)
    %parallel_loop3A = arith.constant 0 : i32
    %parallel_loop3A_88 = arith.constant 320 : i32
    %parallel_loop3A_89 = arith.constant 1 : i32
    scf.for %parallel_loop3A_102 = %parallel_loop3A to %parallel_loop3A_88 step %parallel_loop3A_89  : i32 {
      %parallel_loop3A_103 = arith.constant 16 : i32
      %parallel_loop3A_104 = arith.muli %parallel_loop3A_102, %parallel_loop3A_103 : i32
      %parallel_loop3A_105 = arith.constant 0 : i32
      %parallel_loop3A_106 = arith.index_cast %parallel_loop3A_105 : i32 to index
      %parallel_loop3A_107 = arith.index_cast %parallel_loop3A_104 : i32 to index
      %parallel_loop3A_108 = tpu.vector_load %arg6[%parallel_loop3A_106, %parallel_loop3A_107] {strides = array<i32>} : memref<2x10112xi32, #tpu.memory_space<vmem>>, vector<16xi32>,
      %parallel_loop3A_109 = arith.constant 1 : i32
      %parallel_loop3A_110 = arith.index_cast %parallel_loop3A_109 : i32 to index
      %parallel_loop3A_111 = arith.index_cast %parallel_loop3A_104 : i32 to index
      %parallel_loop3A_112 = tpu.vector_load %arg6[%parallel_loop3A_110, %parallel_loop3A_111] {strides = array<i32>} : memref<2x10112xi32, #tpu.memory_space<vmem>>, vector<16xi32>,
      %parallel_loop3A_113 = tpu.vector_load_idx %arg5[%parallel_loop3A_108] : memref<10240xf32, #tpu.memory_space<vmem>>[vector<16xi32>], vector<16xf32>,
      tpu.vector_store_idx %arg7[%parallel_loop3A_112], %parallel_loop3A_113 {add = true} : memref<10240xf32, #tpu.memory_space<vmem>>[vector<16xi32>], vector<16xf32>,
    } {sc.loop_unroll_factor = 8 : i64, sc.parallel_access}
    %dma_wait3A_90 = arith.constant 0 : i32
    %dma_wait3A_91 = arith.constant 5120 : i32
    %dma_wait3A_92 = tpu.memref_slice %arg6[%dma_wait3A_90, %dma_wait3A_91] : memref<2x10112xi32, #tpu.memory_space<vmem>> -> memref<2x4992xi32, #tpu.memory_space<vmem>>
    %dma_wait3A_93 = arith.constant 0 : i32
    %dma_wait3A_94 = tpu.memref_slice %arg2[%dma_wait3A_93, %add3A_62] : memref<2x320000xi32, #tpu.memory_space<hbm>> -> memref<2x4992xi32, #tpu.memory_space<hbm>>
    %dma_wait3A_95 = arith.constant 0 : i32
    %dma_wait3A_96 = arith.constant 5120 : i32
    %dma_wait3A_97 = tpu.memref_slice %arg6[%dma_wait3A_95, %dma_wait3A_96] : memref<2x10112xi32, #tpu.memory_space<vmem>> -> memref<2x4992xi32, #tpu.memory_space<vmem>>
    %dma_wait3A_98 = arith.constant 0 : i32
    %dma_wait3A_99 = tpu.memref_slice %arg2[%dma_wait3A_98, %add3A_62] : memref<2x320000xi32, #tpu.memory_space<hbm>> -> memref<2x4992xi32, #tpu.memory_space<hbm>>
    tpu.wait_dma2 semaphore(%arg10 : memref<!tpu.dma_semaphore, #tpu.memory_space<semaphore_mem>>) src(%dma_wait3A_99 : memref<2x4992xi32, #tpu.memory_space<hbm>>) dst(%dma_wait3A_97 : memref<2x4992xi32, #tpu.memory_space<vmem>>)
    %parallel_loop3A_100 = arith.constant 320 : i32
    %parallel_loop3A_101 = arith.constant 1 : i32
    scf.for %parallel_loop3A_102 = %parallel_loop3A_100 to %mul3A_51 step %parallel_loop3A_101  : i32 {
      %parallel_loop3A_103 = arith.constant 16 : i32
      %parallel_loop3A_104 = arith.muli %parallel_loop3A_102, %parallel_loop3A_103 : i32
      %parallel_loop3A_105 = arith.constant 0 : i32
      %parallel_loop3A_106 = arith.index_cast %parallel_loop3A_105 : i32 to index
      %parallel_loop3A_107 = arith.index_cast %parallel_loop3A_104 : i32 to index
      %parallel_loop3A_108 = tpu.vector_load %arg6[%parallel_loop3A_106, %parallel_loop3A_107] {strides = array<i32>} : memref<2x10112xi32, #tpu.memory_space<vmem>>, vector<16xi32>,
      %parallel_loop3A_109 = arith.constant 1 : i32
      %parallel_loop3A_110 = arith.index_cast %parallel_loop3A_109 : i32 to index
      %parallel_loop3A_111 = arith.index_cast %parallel_loop3A_104 : i32 to index
      %parallel_loop3A_112 = tpu.vector_load %arg6[%parallel_loop3A_110, %parallel_loop3A_111] {strides = array<i32>} : memref<2x10112xi32, #tpu.memory_space<vmem>>, vector<16xi32>,
      %parallel_loop3A_113 = tpu.vector_load_idx %arg5[%parallel_loop3A_108] : memref<10240xf32, #tpu.memory_space<vmem>>[vector<16xi32>], vector<16xf32>,
      tpu.vector_store_idx %arg7[%parallel_loop3A_112], %parallel_loop3A_113 {add = true} : memref<10240xf32, #tpu.memory_space<vmem>>[vector<16xi32>], vector<16xf32>,
    } {sc.loop_unroll_factor = 8 : i64, sc.parallel_access}
    "tpu.region"() ({
      %run_scoped3A = tpu.sem_alloc : memref<!tpu.dma_semaphore, #tpu.memory_space<semaphore_mem>>
      %dma_start3A_102 = arith.constant 0 : i32
      %dma_start3A_103 = tpu.memref_slice %arg4[%add3A, %dma_start3A_102] : memref<32x10240xf32, #tpu.memory_space<hbm>> -> memref<1x10240xf32, #tpu.memory_space<hbm>>
      %dma_start3A_104 = tpu.memref_squeeze %dma_start3A_103 : memref<1x10240xf32, #tpu.memory_space<hbm>> -> memref<10240xf32, #tpu.memory_space<hbm>>
      %dma_start3A_105 = arith.constant 0 : i32
      %dma_start3A_106 = tpu.memref_slice %arg4[%add3A, %dma_start3A_105] : memref<32x10240xf32, #tpu.memory_space<hbm>> -> memref<1x10240xf32, #tpu.memory_space<hbm>>
      %dma_start3A_107 = tpu.memref_squeeze %dma_start3A_106 : memref<1x10240xf32, #tpu.memory_space<hbm>> -> memref<10240xf32, #tpu.memory_space<hbm>>
      tpu.enqueue_dma source(%arg7 : memref<10240xf32, #tpu.memory_space<vmem>>) target(%dma_start3A_107 : memref<10240xf32, #tpu.memory_space<hbm>>) target_semaphore(%run_scoped3A : memref<!tpu.dma_semaphore, #tpu.memory_space<semaphore_mem>>)
      %dma_wait3A_108 = arith.constant 0 : i32
      %dma_wait3A_109 = tpu.memref_slice %arg4[%add3A, %dma_wait3A_108] : memref<32x10240xf32, #tpu.memory_space<hbm>> -> memref<1x10240xf32, #tpu.memory_space<hbm>>
      %dma_wait3A_110 = tpu.memref_squeeze %dma_wait3A_109 : memref<1x10240xf32, #tpu.memory_space<hbm>> -> memref<10240xf32, #tpu.memory_space<hbm>>
      %dma_wait3A_111 = arith.constant 0 : i32
      %dma_wait3A_112 = tpu.memref_slice %arg4[%add3A, %dma_wait3A_111] : memref<32x10240xf32, #tpu.memory_space<hbm>> -> memref<1x10240xf32, #tpu.memory_space<hbm>>
      %dma_wait3A_113 = tpu.memref_squeeze %dma_wait3A_112 : memref<1x10240xf32, #tpu.memory_space<hbm>> -> memref<10240xf32, #tpu.memory_space<hbm>>
      tpu.wait_dma2 semaphore(%run_scoped3A : memref<!tpu.dma_semaphore, #tpu.memory_space<semaphore_mem>>) src(%arg7 : memref<10240xf32, #tpu.memory_space<vmem>>) dst(%dma_wait3A_113 : memref<10240xf32, #tpu.memory_space<hbm>>)
      tpu.yield
    }) : () -> ()
    return
  }
}

#map = affine_map<(d0, d1) -> (0, 0)>
module attributes {stable_mosaic.version = 14 : i64} {
  func.func @_hist(%arg0: i32, %arg1: i32, %arg2: memref<2x320000xi32, #tpu.memory_space<hbm>>, %arg3: memref<32x10240xf32, #tpu.memory_space<hbm>>, %arg4: memref<2x10112xi32, #tpu.memory_space<vmem>>, %arg5: memref<10240xf32, #tpu.memory_space<vmem>>, %arg6: memref<!tpu.dma_semaphore, #tpu.memory_space<semaphore_mem>>, %arg7: memref<!tpu.dma_semaphore, #tpu.memory_space<semaphore_mem>>) attributes {dimension_semantics = [#tpu.dimension_semantics<core_parallel>, #tpu.dimension_semantics<subcore_parallel>], iteration_bounds = array<i64: 2, 16>, scalar_prefetch = 0 : i64, scratch_operands = 4 : i64, tpu.core_type = #tpu.core_type<sc_vector_subcore>, window_params = [{transform_indices = #map}, {transform_indices = #map}]} {
    %mul3A = arith.constant 2 : i32
    %mul3A_0 = arith.muli %arg1, %mul3A : i32
    %add3A = arith.addi %mul3A_0, %arg0 : i32
    %mul3A_1 = arith.constant 2500 : i32
    %mul3A_2 = arith.muli %mul3A_1, %add3A : i32
    %jit3A = arith.constant 32 : i32
    %div3A = arith.divsi %mul3A_2, %jit3A : i32
    %sign3A = arith.constant 0 : i32
    %sign3A_3 = arith.cmpi sgt, %mul3A_2, %sign3A : i32
    %sign3A_4 = arith.extui %sign3A_3 : i1 to i32
    %sign3A_5 = arith.constant 0 : i32
    %sign3A_6 = arith.cmpi slt, %mul3A_2, %sign3A_5 : i32
    %sign3A_7 = arith.extui %sign3A_6 : i1 to i32
    %sign3A_8 = arith.subi %sign3A_4, %sign3A_7 : i32
    %sign3A_9 = arith.constant 0 : i32
    %sign3A_10 = arith.cmpi sgt, %jit3A, %sign3A_9 : i32
    %sign3A_11 = arith.extui %sign3A_10 : i1 to i32
    %sign3A_12 = arith.constant 0 : i32
    %sign3A_13 = arith.cmpi slt, %jit3A, %sign3A_12 : i32
    %sign3A_14 = arith.extui %sign3A_13 : i1 to i32
    %sign3A_15 = arith.subi %sign3A_11, %sign3A_14 : i32
    %ne3A = arith.cmpi ne, %sign3A_8, %sign3A_15 : i32
    %rem3A = arith.remsi %mul3A_2, %jit3A : i32
    %ne3A_16 = arith.constant 0 : i32
    %ne3A_17 = arith.cmpi ne, %rem3A, %ne3A_16 : i32
    %and3A = arith.andi %ne3A, %ne3A_17 : i1
    %sub3A = arith.constant 1 : i32
    %sub3A_18 = arith.subi %div3A, %sub3A : i32
    %select_n3A = arith.select %and3A, %sub3A_18, %div3A : i32
    %add3A_19 = arith.constant 1 : i32
    %add3A_20 = arith.addi %add3A, %add3A_19 : i32
    %mul3A_21 = arith.constant 2500 : i32
    %mul3A_22 = arith.muli %mul3A_21, %add3A_20 : i32
    %jit3A_23 = arith.constant 32 : i32
    %div3A_24 = arith.divsi %mul3A_22, %jit3A_23 : i32
    %sign3A_25 = arith.constant 0 : i32
    %sign3A_26 = arith.cmpi sgt, %mul3A_22, %sign3A_25 : i32
    %sign3A_27 = arith.extui %sign3A_26 : i1 to i32
    %sign3A_28 = arith.constant 0 : i32
    %sign3A_29 = arith.cmpi slt, %mul3A_22, %sign3A_28 : i32
    %sign3A_30 = arith.extui %sign3A_29 : i1 to i32
    %sign3A_31 = arith.subi %sign3A_27, %sign3A_30 : i32
    %sign3A_32 = arith.constant 0 : i32
    %sign3A_33 = arith.cmpi sgt, %jit3A_23, %sign3A_32 : i32
    %sign3A_34 = arith.extui %sign3A_33 : i1 to i32
    %sign3A_35 = arith.constant 0 : i32
    %sign3A_36 = arith.cmpi slt, %jit3A_23, %sign3A_35 : i32
    %sign3A_37 = arith.extui %sign3A_36 : i1 to i32
    %sign3A_38 = arith.subi %sign3A_34, %sign3A_37 : i32
    %ne3A_39 = arith.cmpi ne, %sign3A_31, %sign3A_38 : i32
    %rem3A_40 = arith.remsi %mul3A_22, %jit3A_23 : i32
    %ne3A_41 = arith.constant 0 : i32
    %ne3A_42 = arith.cmpi ne, %rem3A_40, %ne3A_41 : i32
    %and3A_43 = arith.andi %ne3A_39, %ne3A_42 : i1
    %sub3A_44 = arith.constant 1 : i32
    %sub3A_45 = arith.subi %div3A_24, %sub3A_44 : i32
    %select_n3A_46 = arith.select %and3A_43, %sub3A_45, %div3A_24 : i32
    %mul3A_47 = arith.constant 128 : i32
    %mul3A_48 = arith.muli %select_n3A, %mul3A_47 : i32
    %multiple_of3A = tpu.assume_multiple %mul3A_48, 128 : i32
    %sub3A_49 = arith.subi %select_n3A_46, %select_n3A : i32
    %mul3A_50 = arith.constant 8 : i32
    %mul3A_51 = arith.muli %sub3A_49, %mul3A_50 : i32
    %dma_start3A = arith.constant 0 : i32
    %dma_start3A_52 = arith.constant 0 : i32
    %dma_start3A_53 = tpu.memref_slice %arg4[%dma_start3A, %dma_start3A_52] : memref<2x10112xi32, #tpu.memory_space<vmem>> -> memref<2x5120xi32, #tpu.memory_space<vmem>>
    %dma_start3A_54 = arith.constant 0 : i32
    %dma_start3A_55 = tpu.memref_slice %arg2[%dma_start3A_54, %multiple_of3A] : memref<2x320000xi32, #tpu.memory_space<hbm>> -> memref<2x5120xi32, #tpu.memory_space<hbm>>
    %dma_start3A_56 = arith.constant 0 : i32
    %dma_start3A_57 = arith.constant 0 : i32
    %dma_start3A_58 = tpu.memref_slice %arg4[%dma_start3A_56, %dma_start3A_57] : memref<2x10112xi32, #tpu.memory_space<vmem>> -> memref<2x5120xi32, #tpu.memory_space<vmem>>
    %dma_start3A_59 = arith.constant 0 : i32
    %dma_start3A_60 = tpu.memref_slice %arg2[%dma_start3A_59, %multiple_of3A] : memref<2x320000xi32, #tpu.memory_space<hbm>> -> memref<2x5120xi32, #tpu.memory_space<hbm>>
    tpu.enqueue_dma source(%dma_start3A_60 : memref<2x5120xi32, #tpu.memory_space<hbm>>) target(%dma_start3A_58 : memref<2x5120xi32, #tpu.memory_space<vmem>>) target_semaphore(%arg6 : memref<!tpu.dma_semaphore, #tpu.memory_space<semaphore_mem>>)
    %add3A_61 = arith.constant 5120 : i32
    %add3A_62 = arith.addi %multiple_of3A, %add3A_61 : i32
    %dma_start3A_63 = arith.constant 0 : i32
    %dma_start3A_64 = arith.constant 5120 : i32
    %dma_start3A_65 = tpu.memref_slice %arg4[%dma_start3A_63, %dma_start3A_64] : memref<2x10112xi32, #tpu.memory_space<vmem>> -> memref<2x4992xi32, #tpu.memory_space<vmem>>
    %dma_start3A_66 = arith.constant 0 : i32
    %dma_start3A_67 = tpu.memref_slice %arg2[%dma_start3A_66, %add3A_62] : memref<2x320000xi32, #tpu.memory_space<hbm>> -> memref<2x4992xi32, #tpu.memory_space<hbm>>
    %dma_start3A_68 = arith.constant 0 : i32
    %dma_start3A_69 = arith.constant 5120 : i32
    %dma_start3A_70 = tpu.memref_slice %arg4[%dma_start3A_68, %dma_start3A_69] : memref<2x10112xi32, #tpu.memory_space<vmem>> -> memref<2x4992xi32, #tpu.memory_space<vmem>>
    %dma_start3A_71 = arith.constant 0 : i32
    %dma_start3A_72 = tpu.memref_slice %arg2[%dma_start3A_71, %add3A_62] : memref<2x320000xi32, #tpu.memory_space<hbm>> -> memref<2x4992xi32, #tpu.memory_space<hbm>>
    tpu.enqueue_dma source(%dma_start3A_72 : memref<2x4992xi32, #tpu.memory_space<hbm>>) target(%dma_start3A_70 : memref<2x4992xi32, #tpu.memory_space<vmem>>) target_semaphore(%arg7 : memref<!tpu.dma_semaphore, #tpu.memory_space<semaphore_mem>>)
    %broadcast_in_dim3A = arith.constant 0.000000e+00 : f32
    %broadcast_in_dim3A_73 = vector.broadcast %broadcast_in_dim3A : f32 to vector<16xf32>
    %scan3A = arith.constant 0 : i32
    %scan3A_74 = arith.constant 0 : i32
    %scan3A_75 = arith.constant 80 : i32
    %scan3A_76 = arith.addi %scan3A_74, %scan3A_75 : i32
    %scan3A_77 = arith.constant 1 : i32
    scf.for %scan3A_104 = %scan3A_74 to %scan3A_76 step %scan3A_77  : i32 {
      %mul3A_105 = arith.constant 8 : i32
      %mul3A_106 = arith.muli %scan3A_104, %mul3A_105 : i32
      %add3A_107 = arith.constant 0 : i32
      %add3A_108 = arith.addi %mul3A_106, %add3A_107 : i32
      %mul3A_109 = arith.constant 16 : i32
      %mul3A_110 = arith.muli %add3A_108, %mul3A_109 : i32
      %swap3A = arith.index_cast %mul3A_110 : i32 to index
      %swap3A_111 = tpu.vector_load %arg5[%swap3A] {strides = array<i32>} : memref<10240xf32, #tpu.memory_space<vmem>>, vector<16xf32>,
      tpu.vector_store %arg5[%swap3A], %broadcast_in_dim3A_73 {strides = array<i32>} : memref<10240xf32, #tpu.memory_space<vmem>>, vector<16xf32>,
      %mul3A_112 = arith.constant 8 : i32
      %mul3A_113 = arith.muli %scan3A_104, %mul3A_112 : i32
      %add3A_114 = arith.constant 1 : i32
      %add3A_115 = arith.addi %mul3A_113, %add3A_114 : i32
      %mul3A_116 = arith.constant 16 : i32
      %mul3A_117 = arith.muli %add3A_115, %mul3A_116 : i32
      %swap3A_118 = arith.index_cast %mul3A_117 : i32 to index
      %swap3A_119 = tpu.vector_load %arg5[%swap3A_118] {strides = array<i32>} : memref<10240xf32, #tpu.memory_space<vmem>>, vector<16xf32>,
      tpu.vector_store %arg5[%swap3A_118], %broadcast_in_dim3A_73 {strides = array<i32>} : memref<10240xf32, #tpu.memory_space<vmem>>, vector<16xf32>,
      %mul3A_120 = arith.constant 8 : i32
      %mul3A_121 = arith.muli %scan3A_104, %mul3A_120 : i32
      %add3A_122 = arith.constant 2 : i32
      %add3A_123 = arith.addi %mul3A_121, %add3A_122 : i32
      %mul3A_124 = arith.constant 16 : i32
      %mul3A_125 = arith.muli %add3A_123, %mul3A_124 : i32
      %swap3A_126 = arith.index_cast %mul3A_125 : i32 to index
      %swap3A_127 = tpu.vector_load %arg5[%swap3A_126] {strides = array<i32>} : memref<10240xf32, #tpu.memory_space<vmem>>, vector<16xf32>,
      tpu.vector_store %arg5[%swap3A_126], %broadcast_in_dim3A_73 {strides = array<i32>} : memref<10240xf32, #tpu.memory_space<vmem>>, vector<16xf32>,
      %mul3A_128 = arith.constant 8 : i32
      %mul3A_129 = arith.muli %scan3A_104, %mul3A_128 : i32
      %add3A_130 = arith.constant 3 : i32
      %add3A_131 = arith.addi %mul3A_129, %add3A_130 : i32
      %mul3A_132 = arith.constant 16 : i32
      %mul3A_133 = arith.muli %add3A_131, %mul3A_132 : i32
      %swap3A_134 = arith.index_cast %mul3A_133 : i32 to index
      %swap3A_135 = tpu.vector_load %arg5[%swap3A_134] {strides = array<i32>} : memref<10240xf32, #tpu.memory_space<vmem>>, vector<16xf32>,
      tpu.vector_store %arg5[%swap3A_134], %broadcast_in_dim3A_73 {strides = array<i32>} : memref<10240xf32, #tpu.memory_space<vmem>>, vector<16xf32>,
      %mul3A_136 = arith.constant 8 : i32
      %mul3A_137 = arith.muli %scan3A_104, %mul3A_136 : i32
      %add3A_138 = arith.constant 4 : i32
      %add3A_139 = arith.addi %mul3A_137, %add3A_138 : i32
      %mul3A_140 = arith.constant 16 : i32
      %mul3A_141 = arith.muli %add3A_139, %mul3A_140 : i32
      %swap3A_142 = arith.index_cast %mul3A_141 : i32 to index
      %swap3A_143 = tpu.vector_load %arg5[%swap3A_142] {strides = array<i32>} : memref<10240xf32, #tpu.memory_space<vmem>>, vector<16xf32>,
      tpu.vector_store %arg5[%swap3A_142], %broadcast_in_dim3A_73 {strides = array<i32>} : memref<10240xf32, #tpu.memory_space<vmem>>, vector<16xf32>,
      %mul3A_144 = arith.constant 8 : i32
      %mul3A_145 = arith.muli %scan3A_104, %mul3A_144 : i32
      %add3A_146 = arith.constant 5 : i32
      %add3A_147 = arith.addi %mul3A_145, %add3A_146 : i32
      %mul3A_148 = arith.constant 16 : i32
      %mul3A_149 = arith.muli %add3A_147, %mul3A_148 : i32
      %swap3A_150 = arith.index_cast %mul3A_149 : i32 to index
      %swap3A_151 = tpu.vector_load %arg5[%swap3A_150] {strides = array<i32>} : memref<10240xf32, #tpu.memory_space<vmem>>, vector<16xf32>,
      tpu.vector_store %arg5[%swap3A_150], %broadcast_in_dim3A_73 {strides = array<i32>} : memref<10240xf32, #tpu.memory_space<vmem>>, vector<16xf32>,
      %mul3A_152 = arith.constant 8 : i32
      %mul3A_153 = arith.muli %scan3A_104, %mul3A_152 : i32
      %add3A_154 = arith.constant 6 : i32
      %add3A_155 = arith.addi %mul3A_153, %add3A_154 : i32
      %mul3A_156 = arith.constant 16 : i32
      %mul3A_157 = arith.muli %add3A_155, %mul3A_156 : i32
      %swap3A_158 = arith.index_cast %mul3A_157 : i32 to index
      %swap3A_159 = tpu.vector_load %arg5[%swap3A_158] {strides = array<i32>} : memref<10240xf32, #tpu.memory_space<vmem>>, vector<16xf32>,
      tpu.vector_store %arg5[%swap3A_158], %broadcast_in_dim3A_73 {strides = array<i32>} : memref<10240xf32, #tpu.memory_space<vmem>>, vector<16xf32>,
      %mul3A_160 = arith.constant 8 : i32
      %mul3A_161 = arith.muli %scan3A_104, %mul3A_160 : i32
      %add3A_162 = arith.constant 7 : i32
      %add3A_163 = arith.addi %mul3A_161, %add3A_162 : i32
      %mul3A_164 = arith.constant 16 : i32
      %mul3A_165 = arith.muli %add3A_163, %mul3A_164 : i32
      %swap3A_166 = arith.index_cast %mul3A_165 : i32 to index
      %swap3A_167 = tpu.vector_load %arg5[%swap3A_166] {strides = array<i32>} : memref<10240xf32, #tpu.memory_space<vmem>>, vector<16xf32>,
      tpu.vector_store %arg5[%swap3A_166], %broadcast_in_dim3A_73 {strides = array<i32>} : memref<10240xf32, #tpu.memory_space<vmem>>, vector<16xf32>,
    }
    %scan3A_78 = arith.constant 80 : i32
    %dma_wait3A = arith.constant 0 : i32
    %dma_wait3A_79 = arith.constant 0 : i32
    %dma_wait3A_80 = tpu.memref_slice %arg4[%dma_wait3A, %dma_wait3A_79] : memref<2x10112xi32, #tpu.memory_space<vmem>> -> memref<2x5120xi32, #tpu.memory_space<vmem>>
    %dma_wait3A_81 = arith.constant 0 : i32
    %dma_wait3A_82 = tpu.memref_slice %arg2[%dma_wait3A_81, %multiple_of3A] : memref<2x320000xi32, #tpu.memory_space<hbm>> -> memref<2x5120xi32, #tpu.memory_space<hbm>>
    %dma_wait3A_83 = arith.constant 0 : i32
    %dma_wait3A_84 = arith.constant 0 : i32
    %dma_wait3A_85 = tpu.memref_slice %arg4[%dma_wait3A_83, %dma_wait3A_84] : memref<2x10112xi32, #tpu.memory_space<vmem>> -> memref<2x5120xi32, #tpu.memory_space<vmem>>
    %dma_wait3A_86 = arith.constant 0 : i32
    %dma_wait3A_87 = tpu.memref_slice %arg2[%dma_wait3A_86, %multiple_of3A] : memref<2x320000xi32, #tpu.memory_space<hbm>> -> memref<2x5120xi32, #tpu.memory_space<hbm>>
    tpu.wait_dma2 semaphore(%arg6 : memref<!tpu.dma_semaphore, #tpu.memory_space<semaphore_mem>>) src(%dma_wait3A_87 : memref<2x5120xi32, #tpu.memory_space<hbm>>) dst(%dma_wait3A_85 : memref<2x5120xi32, #tpu.memory_space<vmem>>)
    %broadcast_in_dim3A_88 = arith.constant 1.000000e+00 : f32
    %broadcast_in_dim3A_89 = vector.broadcast %broadcast_in_dim3A_88 : f32 to vector<16xf32>
    %parallel_loop3A = arith.constant 0 : i32
    %parallel_loop3A_90 = arith.constant 320 : i32
    %parallel_loop3A_91 = arith.constant 1 : i32
    scf.for %parallel_loop3A_104 = %parallel_loop3A to %parallel_loop3A_90 step %parallel_loop3A_91  : i32 {
      %parallel_loop3A_105 = arith.constant 16 : i32
      %parallel_loop3A_106 = arith.muli %parallel_loop3A_104, %parallel_loop3A_105 : i32
      %parallel_loop3A_107 = arith.constant 1 : i32
      %parallel_loop3A_108 = arith.index_cast %parallel_loop3A_107 : i32 to index
      %parallel_loop3A_109 = arith.index_cast %parallel_loop3A_106 : i32 to index
      %parallel_loop3A_110 = tpu.vector_load %arg4[%parallel_loop3A_108, %parallel_loop3A_109] {strides = array<i32>} : memref<2x10112xi32, #tpu.memory_space<vmem>>, vector<16xi32>,
      tpu.vector_store_idx %arg5[%parallel_loop3A_110], %broadcast_in_dim3A_89 {add = true} : memref<10240xf32, #tpu.memory_space<vmem>>[vector<16xi32>], vector<16xf32>,
    } {sc.loop_unroll_factor = 8 : i64, sc.parallel_access}
    %dma_wait3A_92 = arith.constant 0 : i32
    %dma_wait3A_93 = arith.constant 5120 : i32
    %dma_wait3A_94 = tpu.memref_slice %arg4[%dma_wait3A_92, %dma_wait3A_93] : memref<2x10112xi32, #tpu.memory_space<vmem>> -> memref<2x4992xi32, #tpu.memory_space<vmem>>
    %dma_wait3A_95 = arith.constant 0 : i32
    %dma_wait3A_96 = tpu.memref_slice %arg2[%dma_wait3A_95, %add3A_62] : memref<2x320000xi32, #tpu.memory_space<hbm>> -> memref<2x4992xi32, #tpu.memory_space<hbm>>
    %dma_wait3A_97 = arith.constant 0 : i32
    %dma_wait3A_98 = arith.constant 5120 : i32
    %dma_wait3A_99 = tpu.memref_slice %arg4[%dma_wait3A_97, %dma_wait3A_98] : memref<2x10112xi32, #tpu.memory_space<vmem>> -> memref<2x4992xi32, #tpu.memory_space<vmem>>
    %dma_wait3A_100 = arith.constant 0 : i32
    %dma_wait3A_101 = tpu.memref_slice %arg2[%dma_wait3A_100, %add3A_62] : memref<2x320000xi32, #tpu.memory_space<hbm>> -> memref<2x4992xi32, #tpu.memory_space<hbm>>
    tpu.wait_dma2 semaphore(%arg7 : memref<!tpu.dma_semaphore, #tpu.memory_space<semaphore_mem>>) src(%dma_wait3A_101 : memref<2x4992xi32, #tpu.memory_space<hbm>>) dst(%dma_wait3A_99 : memref<2x4992xi32, #tpu.memory_space<vmem>>)
    %parallel_loop3A_102 = arith.constant 320 : i32
    %parallel_loop3A_103 = arith.constant 1 : i32
    scf.for %parallel_loop3A_104 = %parallel_loop3A_102 to %mul3A_51 step %parallel_loop3A_103  : i32 {
      %parallel_loop3A_105 = arith.constant 16 : i32
      %parallel_loop3A_106 = arith.muli %parallel_loop3A_104, %parallel_loop3A_105 : i32
      %parallel_loop3A_107 = arith.constant 1 : i32
      %parallel_loop3A_108 = arith.index_cast %parallel_loop3A_107 : i32 to index
      %parallel_loop3A_109 = arith.index_cast %parallel_loop3A_106 : i32 to index
      %parallel_loop3A_110 = tpu.vector_load %arg4[%parallel_loop3A_108, %parallel_loop3A_109] {strides = array<i32>} : memref<2x10112xi32, #tpu.memory_space<vmem>>, vector<16xi32>,
      tpu.vector_store_idx %arg5[%parallel_loop3A_110], %broadcast_in_dim3A_89 {add = true} : memref<10240xf32, #tpu.memory_space<vmem>>[vector<16xi32>], vector<16xf32>,
    } {sc.loop_unroll_factor = 8 : i64, sc.parallel_access}
    "tpu.region"() ({
      %run_scoped3A = tpu.sem_alloc : memref<!tpu.dma_semaphore, #tpu.memory_space<semaphore_mem>>
      %dma_start3A_104 = arith.constant 0 : i32
      %dma_start3A_105 = tpu.memref_slice %arg3[%add3A, %dma_start3A_104] : memref<32x10240xf32, #tpu.memory_space<hbm>> -> memref<1x10240xf32, #tpu.memory_space<hbm>>
      %dma_start3A_106 = tpu.memref_squeeze %dma_start3A_105 : memref<1x10240xf32, #tpu.memory_space<hbm>> -> memref<10240xf32, #tpu.memory_space<hbm>>
      %dma_start3A_107 = arith.constant 0 : i32
      %dma_start3A_108 = tpu.memref_slice %arg3[%add3A, %dma_start3A_107] : memref<32x10240xf32, #tpu.memory_space<hbm>> -> memref<1x10240xf32, #tpu.memory_space<hbm>>
      %dma_start3A_109 = tpu.memref_squeeze %dma_start3A_108 : memref<1x10240xf32, #tpu.memory_space<hbm>> -> memref<10240xf32, #tpu.memory_space<hbm>>
      tpu.enqueue_dma source(%arg5 : memref<10240xf32, #tpu.memory_space<vmem>>) target(%dma_start3A_109 : memref<10240xf32, #tpu.memory_space<hbm>>) target_semaphore(%run_scoped3A : memref<!tpu.dma_semaphore, #tpu.memory_space<semaphore_mem>>)
      %dma_wait3A_110 = arith.constant 0 : i32
      %dma_wait3A_111 = tpu.memref_slice %arg3[%add3A, %dma_wait3A_110] : memref<32x10240xf32, #tpu.memory_space<hbm>> -> memref<1x10240xf32, #tpu.memory_space<hbm>>
      %dma_wait3A_112 = tpu.memref_squeeze %dma_wait3A_111 : memref<1x10240xf32, #tpu.memory_space<hbm>> -> memref<10240xf32, #tpu.memory_space<hbm>>
      %dma_wait3A_113 = arith.constant 0 : i32
      %dma_wait3A_114 = tpu.memref_slice %arg3[%add3A, %dma_wait3A_113] : memref<32x10240xf32, #tpu.memory_space<hbm>> -> memref<1x10240xf32, #tpu.memory_space<hbm>>
      %dma_wait3A_115 = tpu.memref_squeeze %dma_wait3A_114 : memref<1x10240xf32, #tpu.memory_space<hbm>> -> memref<10240xf32, #tpu.memory_space<hbm>>
      tpu.wait_dma2 semaphore(%run_scoped3A : memref<!tpu.dma_semaphore, #tpu.memory_space<semaphore_mem>>) src(%arg5 : memref<10240xf32, #tpu.memory_space<vmem>>) dst(%dma_wait3A_115 : memref<10240xf32, #tpu.memory_space<hbm>>)
      tpu.yield
    }) : () -> ()
    return
  }
}

module attributes {stable_mosaic.version = 14 : i64} {
  func.func @_matvec_body(%arg0: memref<10000x128xf32, #tpu.memory_space<vmem>>, %arg1: memref<128x1xf32, #tpu.memory_space<vmem>>, %arg2: memref<10240xf32, #tpu.memory_space<vmem>>) attributes {dimension_semantics = [], scalar_prefetch = 0 : i64, scratch_operands = 0 : i64, tpu.core_type = #tpu.core_type<tc>} {
    %get3A = arith.constant 0 : index
    %get3A_0 = arith.constant 0 : index
    %get3A_1 = vector.load %arg0[%get3A, %get3A_0] : memref<10000x128xf32, #tpu.memory_space<vmem>>, vector<10000x128xf32>
    %get3A_2 = arith.constant 0 : index
    %get3A_3 = arith.constant 0 : index
    %get3A_4 = vector.load %arg1[%get3A_2, %get3A_3] : memref<128x1xf32, #tpu.memory_space<vmem>>, vector<128x1xf32>
    %dot_general3A = arith.constant dense<0.000000e+00> : vector<10000x1xf32>
    %dot_general3A_5 = tpu.matmul %get3A_1, %get3A_4, %dot_general3A {dimension_numbers = #tpu.dot_dimension_numbers<[1], [0], [0], [1], [0, 0, 1, 1], [], []>, transpose_lhs_hint = false} : vector<10000x128xf32>, vector<128x1xf32>, vector<10000x1xf32> -> vector<10000x1xf32>
    %squeeze3A = vector.shape_cast %dot_general3A_5 : vector<10000x1xf32> to vector<10000xf32>
    %broadcast_in_dim3A = arith.constant 0.000000e+00 : f32
    %broadcast_in_dim3A_6 = vector.broadcast %broadcast_in_dim3A : f32 to vector<240xf32>
    %concatenate3A = tpu.concatenate %squeeze3A, %broadcast_in_dim3A_6 in 0 : vector<10000xf32>, vector<240xf32> -> vector<10240xf32>
    %swap3A = arith.constant 0 : index
    %swap3A_7 = vector.load %arg2[%swap3A] : memref<10240xf32, #tpu.memory_space<vmem>>, vector<10240xf32>
    tpu.vector_store %arg2[%swap3A], %concatenate3A {strides = array<i32>} : memref<10240xf32, #tpu.memory_space<vmem>>, vector<10240xf32>,
    return
  }
}

module attributes {stable_mosaic.version = 14 : i64} {
  func.func @_norm_body(%arg0: memref<32x10240xf32, #tpu.memory_space<vmem>>, %arg1: memref<10240xf32, #tpu.memory_space<vmem>>, %arg2: memref<10240xf32, #tpu.memory_space<vmem>>, %arg3: memref<10240xf32, #tpu.memory_space<vmem>>, %arg4: memref<10240xf32, #tpu.memory_space<vmem>>) attributes {dimension_semantics = [], scalar_prefetch = 0 : i64, scratch_operands = 0 : i64, tpu.core_type = #tpu.core_type<tc>} {
    %get3A = arith.constant 0 : index
    %get3A_0 = arith.constant 0 : index
    %get3A_1 = vector.load %arg0[%get3A, %get3A_0] : memref<32x10240xf32, #tpu.memory_space<vmem>>, vector<32x10240xf32>
    %reduce_sum3A = arith.constant dense<0.000000e+00> : vector<10240xf32>
    %reduce_sum3A_2 = vector.multi_reduction <add>, %get3A_1, %reduce_sum3A [0] : vector<32x10240xf32> to vector<10240xf32>
    %add3A = arith.constant 1.000000e+00 : f32
    %add3A_3 = vector.broadcast %add3A : f32 to vector<10240xf32>
    %add3A_4 = arith.addf %reduce_sum3A_2, %add3A_3 : vector<10240xf32>
    %rsqrt3A = math.rsqrt %add3A_4 : vector<10240xf32>
    %get3A_5 = arith.constant 0 : index
    %get3A_6 = vector.load %arg1[%get3A_5] : memref<10240xf32, #tpu.memory_space<vmem>>, vector<10240xf32>
    %mul3A = arith.mulf %rsqrt3A, %get3A_6 : vector<10240xf32>
    %swap3A = arith.constant 0 : index
    %swap3A_7 = vector.load %arg2[%swap3A] : memref<10240xf32, #tpu.memory_space<vmem>>, vector<10240xf32>
    tpu.vector_store %arg2[%swap3A], %mul3A {strides = array<i32>} : memref<10240xf32, #tpu.memory_space<vmem>>, vector<10240xf32>,
    %swap3A_8 = arith.constant 0 : index
    %swap3A_9 = vector.load %arg3[%swap3A_8] : memref<10240xf32, #tpu.memory_space<vmem>>, vector<10240xf32>
    tpu.vector_store %arg3[%swap3A_8], %rsqrt3A {strides = array<i32>} : memref<10240xf32, #tpu.memory_space<vmem>>, vector<10240xf32>,
    %mul3A_10 = arith.mulf %rsqrt3A, %mul3A : vector<10240xf32>
    %swap3A_11 = arith.constant 0 : index
    %swap3A_12 = vector.load %arg4[%swap3A_11] : memref<10240xf32, #tpu.memory_space<vmem>>, vector<10240xf32>
    tpu.vector_store %arg4[%swap3A_11], %mul3A_10 {strides = array<i32>} : memref<10240xf32, #tpu.memory_space<vmem>>, vector<10240xf32>,
    return
  }
}

module attributes {stable_mosaic.version = 14 : i64} {
  func.func @_final_body(%arg0: memref<32x10240xf32, #tpu.memory_space<vmem>>, %arg1: memref<10240xf32, #tpu.memory_space<vmem>>, %arg2: memref<10240xf32, #tpu.memory_space<vmem>>, %arg3: memref<10000xf32, #tpu.memory_space<vmem>>) attributes {dimension_semantics = [], scalar_prefetch = 0 : i64, scratch_operands = 0 : i64, tpu.core_type = #tpu.core_type<tc>} {
    %get3A = arith.constant 0 : index
    %get3A_0 = arith.constant 0 : index
    %get3A_1 = vector.load %arg0[%get3A, %get3A_0] : memref<32x10240xf32, #tpu.memory_space<vmem>>, vector<32x10240xf32>
    %reduce_sum3A = arith.constant dense<0.000000e+00> : vector<10240xf32>
    %reduce_sum3A_2 = vector.multi_reduction <add>, %get3A_1, %reduce_sum3A [0] : vector<32x10240xf32> to vector<10240xf32>
    %get3A_3 = arith.constant 0 : index
    %get3A_4 = vector.load %arg1[%get3A_3] : memref<10240xf32, #tpu.memory_space<vmem>>, vector<10240xf32>
    %mul3A = arith.mulf %get3A_4, %reduce_sum3A_2 : vector<10240xf32>
    %get3A_5 = arith.constant 0 : index
    %get3A_6 = vector.load %arg2[%get3A_5] : memref<10240xf32, #tpu.memory_space<vmem>>, vector<10240xf32>
    %add3A = arith.addf %mul3A, %get3A_6 : vector<10240xf32>
    %slice3A = vector.extract_strided_slice %add3A {offsets = [0], sizes = [10000], strides = [1]} : vector<10240xf32> to vector<10000xf32>
    %swap3A = arith.constant 0 : index
    %swap3A_7 = vector.load %arg3[%swap3A] : memref<10000xf32, #tpu.memory_space<vmem>>, vector<10000xf32>
    tpu.vector_store %arg3[%swap3A], %slice3A {strides = array<i32>} : memref<10000xf32, #tpu.memory_space<vmem>>, vector<10000xf32>,
    return
  }
}

</mosaic_0001>

<sc_bundles>
// kernel: kernel.10.cloned.1.call-start
scs
__scs_entry_jumppad:
0x0: {  	(pc) =	sbr.rel $0x88, $3  }
0x1: {  	(tag) =	ssettag $0x0;
	lr =	simm.s32 $0x1  }
0x2: {  	[smem:$0x3F9E] =	sst lr;
	_ =	strace $0xD0000000  }
0x3: {  	_ = 	snop  }
0x4: {  	_ = 	snop  }
0x5: {  	_ = 	snop  }
0x6: {  	_ = 	snop  }
0x7: {  	_ = 	snop  }
__scs_overlays_trampoline_lowered:
0x8: {  	[smem:$0x3FAD] =	sst s0  }
0x9: {  	[smem:$0x3FAE] =	sst s1  }
0xa: {  	[smem:$0x3FAF] =	sst s2  }
0xb: {  	[smem:$0x3FB0] =	sst s3  }
0xc: {  	[smem:$0x3FB1] =	sst s4  }
0xd: {  	[smem:$0x3FB2] =	sst s5  }
0xe: {  	[smem:$0x3FB3] =	sst s6  }
0xf: {  	[smem:$0x3FB4] =	sst s7  }
0x10: {  	[smem:$0x3FB5] =	sst s8  }
0x11: {  	[smem:$0x3FB6] =	sst s9;
	s0 =	simm.s32 @!p0 $0x0  }
0x12: {  	s1 =	sld [smem:$0x3F9C];
	s0 =	simm.s32 @p0 $0x1  }
0x13: {  	[smem:$0x3FB7] =	sst s0;
	s0 =	simm.s32 @!p1 $0x0  }
0x14: {  	s2 =	sld [smem:$0x3F9B];
	s0 =	simm.s32 @p1 $0x1  }
0x15: {  	[smem:$0x3FB8] =	sst s0;
	s0 =	simm.s32 @!p2 $0x0  }
0x16: {  	s3 =	sld [smem:$0x3FDB];
	s0 =	simm.s32 @p2 $0x1  }
0x17: {  	s4 =	simm.s32 $0x1BF5;
	[smem:$0x3FBA] =	sst s0  }
0x18: {  	s0 =	sld [smem:$0x3F9D];
	_ =	swait.ge [sflag:s4], $0x0  }
0x19: {  	s7 =	sld [smem:$0x3F9E]  }
0x1a: {  	s8 =	sadd.s32 $0xFFFFE003, lr  }
0x1b: {  	s9 =	sadd.s32 $0xFFFFFEF7, lr;
	s5 =	simm.s32 $0xFFFFFFFF;
	p2 =	slt.u32 s8, $0xFFFFF086  }
0x1c: {  	p1 =	slt.u32 s9, $0xF7A;
	s5 =	simm.s32 @!p2 $0x0  }
0x1d: {  	s5 =	simm.s32 @p1 $0x1;
	p0 =	seq.s32 s7, s2  }
0x1e: {  	s7 =	smul.u32 @!p0 $0xF7A, s2;
	p2 =	seq.s32 @!p0 s5, $0x0  }
0x1f: {  	s9 =	smul.u32 $0xF7A, s1;
	s8 =	simm.s32 @!p0 $0x1BF5;
	p2 =	por !p2, p0  }
0x20: {  	[sflag:s8] =	ssyncset.s32 @!p0 $0xFFFFF086;
	s6 =	sadd.s32 @!p0 s3, s7;
	s7 =	simm.s32 @!p0 $0x108  }
0x21: {  	s3 =	sadd.s32 s3, s9;
	s6 =	sadd.s32 @!p0 $0x88, s6;
	s7 =	simm.s32 @p2 $0x1082  }
0x22: {  	[simem:s7], [sflag:s8] =	dma.local @!p0 [hbm:s6], $0xF7A  }
0x23: {  	s9 =	sor.u32 $0xD0000000, s2;
	s6 =	simm.s32 $0x108;
	_ =	swait.ge @!p0 [sflag:s8], $0x0  }
0x24: {  	s3 =	sadd.s32 $0x88, s3;
	s6 =	simm.s32 @!p1 $0x1082;
	[sflag:s4] =	ssyncset.s32 $0xFFFFF086  }
0x25: {  	[simem:s6], [sflag:s4] =	dma.local [hbm:s3], $0xF7A  }
0x26: {  	[smem:$0x3F9E] =	sst s1;
	(tag) =	ssettag s2;
	_ =	strace s9  }
0x27: {  	s1 =	sld [smem:$0x3FAE]  }
0x28: {  	s2 =	sld [smem:$0x3FAF]  }
0x29: {  	s4 =	sld [smem:$0x3FB1]  }
0x2a: {  	p0 =	seq.s32 s5, $0x0;
	s5 =	sld [smem:$0x3FB2]  }
0x2b: {  	s6 =	sld [smem:$0x3FB3]  }
0x2c: {  	s7 =	sld [smem:$0x3FB4]  }
0x2d: {  	s3 =	simm.s32 $0x108;
	s8 =	sld [smem:$0x3FB5]  }
0x2e: {  	s3 =	simm.s32 @!p0 $0x1082;
	s9 =	sld [smem:$0x3FB6]  }
0x2f: {  	lr =	sadd.s32 s0, s3;
	s0 =	sld [smem:$0x3FAD]  }
0x30: {  	s3 =	sld [smem:$0x3FB0]  }
0x31: {  	[smem:$0x3FB9] =	sst s10  }
0x32: {  	s10 =	sld [smem:$0x3FB7];
	_ =	sdelay $0x3  }
0x33: {  	p0 =	seq.s32 s10, $0x1;
	s10 =	sld [smem:$0x3FB9];
	_ =	sdelay $0x3  }
0x34: {  	[smem:$0x3FB9] =	sst s10  }
0x35: {  	s10 =	sld [smem:$0x3FB8];
	_ =	sdelay $0x3  }
0x36: {  	p1 =	seq.s32 s10, $0x1;
	s10 =	sld [smem:$0x3FB9];
	_ =	sdelay $0x3  }
0x37: {  	[smem:$0x3FB9] =	sst s10  }
0x38: {  	s10 =	sld [smem:$0x3FBA]  }
0x39: {  	_ = 	snop;
	(pc) =	sbr.ind lr, $3  }
0x3a: {  	_ = 	snop  }
0x3b: {  	_ = 	snop  }
0x3c: {  	p2 =	seq.s32 s10, $0x1;
	s10 =	sld [smem:$0x3FB9]  }
0x3d: {  	_ =	shalt  }
0x3e: {  	_ =	shalt  }
0x3f: {  	_ =	shalt  }
0x40: {  	_ =	shalt  }
0x41: {  	_ =	shalt  }
0x42: {  	_ =	shalt  }
0x43: {  	_ =	shalt  }
0x44: {  	_ =	shalt  }
0x45: {  	_ =	shalt  }
0x46: {  	_ =	shalt  }
0x47: {  	_ =	shalt  }
0x48: {  	_ =	shalt  }
0x49: {  	_ =	shalt  }
0x4a: {  	_ =	shalt  }
0x4b: {  	_ =	shalt  }
0x4c: {  	_ =	shalt  }
0x4d: {  	_ =	shalt  }
0x4e: {  	_ =	shalt  }
0x4f: {  	_ =	shalt  }
0x50: {  	_ =	shalt  }
0x51: {  	_ =	shalt  }
0x52: {  	_ =	shalt  }
0x53: {  	_ =	shalt  }
0x54: {  	_ =	shalt  }
0x55: {  	_ =	shalt  }
0x56: {  	_ =	shalt  }
0x57: {  	_ =	shalt  }
0x58: {  	_ =	shalt  }
0x59: {  	_ =	shalt  }
0x5a: {  	_ =	shalt  }
0x5b: {  	_ =	shalt  }
0x5c: {  	_ =	shalt  }
0x5d: {  	_ =	shalt  }
0x5e: {  	_ =	shalt  }
0x5f: {  	_ =	shalt  }
0x60: {  	_ =	shalt  }
0x61: {  	_ =	shalt  }
0x62: {  	_ =	shalt  }
0x63: {  	_ =	shalt  }
0x64: {  	_ =	shalt  }
0x65: {  	_ =	shalt  }
0x66: {  	_ =	shalt  }
0x67: {  	_ =	shalt  }
0x68: {  	_ =	shalt  }
0x69: {  	_ =	shalt  }
0x6a: {  	_ =	shalt  }
0x6b: {  	_ =	shalt  }
0x6c: {  	_ =	shalt  }
0x6d: {  	_ =	shalt  }
0x6e: {  	_ =	shalt  }
0x6f: {  	_ =	shalt  }
0x70: {  	_ =	shalt  }
0x71: {  	_ =	shalt  }
0x72: {  	_ =	shalt  }
0x73: {  	_ =	shalt  }
0x74: {  	_ =	shalt  }
0x75: {  	_ =	shalt  }
0x76: {  	_ =	shalt  }
0x77: {  	_ =	shalt  }
0x78: {  	_ =	shalt  }
0x79: {  	_ =	shalt  }
0x7a: {  	_ =	shalt  }
0x7b: {  	_ =	shalt  }
0x7c: {  	_ =	shalt  }
0x7d: {  	_ =	shalt  }
0x7e: {  	_ =	shalt  }
0x7f: {  	_ =	shalt  }
0x80: {  	_ =	shalt  }
0x81: {  	_ =	shalt  }
0x82: {  	_ =	shalt  }
0x83: {  	_ =	shalt  }
0x84: {  	_ =	shalt  }
0x85: {  	_ =	shalt  }
0x86: {  	_ =	shalt  }
0x87: {  	_ =	shalt  }
.Lfunc_end0:
.L_simem_size_0:
called_computation.1_lowered:
.L_overlay_start_0:
0x88: {  	s2 =	sld [smem:$0x3FD9]  }
0x89: {  	s3 =	sld [smem:$0x3FFE];
	_ =	sdelay $0x1  }
0x8a: {  	s1 =	srdreg.scid  }
0x8b: {  	s0 =	sand.u32 $0x1, s1  }
0x8c: {  	s17 =	sshll.u32 s0, $0xA;
	s2 =	sadd.s32 s3, s2  }
0x8d: {  	s2 =	sadd.s32 s2, s17  }
0x8e: {  	[smem:$0x3FC5] =	sst s2  }
0x8f: {  	_ = 	snop  }
0x90: {  	s2 =	sld [smem:$0x3FC8]  }
0x91: {  	s18 =	sld [smem:$0x3FD0];
	(tm) =	ssettm $0x1  }
0x92: {  	s4 =	sld [smem:$0x3FFB];
	_ =	sdelay $0x3  }
0x93: {  	_ =	strace s4  }
0x94: {  	s4 =	sld [smem:$0x3FFC];
	_ =	sdelay $0x3  }
0x95: {  	_ =	strace s4  }
0x96: {  	s4 =	sld [smem:$0x3FFD];
	_ =	sdelay $0x3  }
0x97: {  	_ =	strace s4  }
0x98: {  	_ =	strace $0x8FFFFFFF  }
0x99: {  	s19 =	sld [smem:$0x3FDB];
	_ =	sdelay $0x1  }
0x9a: {  	s5 =	simm.s32 $_scs_section_size  }
0x9b: {  	s6 =	simm.s32 $_size__tile_overlayer_lowered;
	s7 =	simm.s32 $_tile_overlayer_lowered  }
0x9c: {  	s22 =	simm.s32 $0x1BFF;
	s21 =	sshll.u32 s7, $0x1;
	s4 =	sadd.s32 s5, s19  }
0x9d: {  	s8 =	simm.s32 $0x0;
	s20 =	sshll.u32 s6, $0x1;
	s6 =	sadd.s32 s21, s4  }
0x9e: {  	[timem:s8], [sflag:s22] =	dma.local [hbm:s6], s20  }
0x9f: {  	_ =	swait.ge [sflag:s22], s20  }
0xa0: {  	s5 =	ssub.s32 $0x0, s20;
	[sflag:s22] =	ssyncset.done $0x0  }
0xa1: {  	[sflag:s22] =	ssyncadd.s32 s5;
	_ =	sdelay $0x1  }
0xa2: {  	s23 =	simm.s32 $0x1B8B  }
0xa3: {  	_ =	swait.ge [sflag:s23], $0x1  }
0xa4: {  	[sflag:s23] =	ssyncset.done $0x0  }
0xa5: {  	s25 =	simm.s32 $0x1B8E;
	s24 =	sld [smem:$0x3FFE];
	[sflag:s23] =	ssyncadd.s32 $0xFFFFFFFF  }
0xa6: {  	s26 =	simm.s32 $execute0_lowered;
	[smem:$0x3FD2] =	sst s25  }
0xa7: {  	s6 =	sshll.u32 s26, $0x1;
	_ =	strace $0x80000049;
	[dreg:$0x1] =	wrdreg $0xFFFFFFFF  }
0xa8: {  	s28 =	simm.s32 $_size_execute0_lowered;
	s4 =	sadd.s32 s4, s6;
	[dreg:$0x0] =	wrdreg $0x0  }
0xa9: {  	s6 =	sshll.u32 s28, $0x1;
	[dreg:$0x2] =	wrdreg s4  }
0xaa: {  	[dreg:$0x3] =	wrdreg s6  }
0xab: {  	[dreg:$0x4] =	wrdreg $0xC0  }
0xac: {  	_ =	task [dreg:s8], $0x5FFFF  }
0xad: {  	[dreg:$0x1] =	wrdreg $0xFFFFFFFF  }
0xae: {  	[dreg:$0x0] =	wrdreg $0x60  }
0xaf: {  	[dreg:$0x2] =	wrdreg s2  }
0xb0: {  	[dreg:$0x3] =	wrdreg s18  }
0xb1: {  	[dreg:$0x4] =	wrdreg s24  }
0xb2: {  	[dreg:$0x5] =	wrdreg $0x9  }
0xb3: {  	_ =	task.clear_ibuf [dreg:s8], $0x6FFFF;
	_ =	strace $0x90000049  }
0xb4: {  	s29 =	simm.s32 $0x9;
	_ =	strace $0x8000004B  }
0xb5: {  	_ =	swait.ge [sflag:s29], $0x1  }
0xb6: {  	[sflag:s29] =	ssyncadd.s32 $0xFFFFFFFF  }
0xb7: {  	_ =	strace $0x9000004B  }
0xb8: {  	_ =	sfence  }
0xb9: {  	s30 =	sld [smem:$0x0];
	_ =	sdelay $0x2  }
0xba: {  	s31 =	sshll.u32 s1, $0xD;
	s1 =	sshrl.u32 s1, $0x2  }
0xbb: {  	s3 =	sand.u32 $0x4000, s31;
	s1 =	sadd.s32 s1, s30  }
0xbc: {  	s0 =	sor.u32 s3, s0;
	s1 =	sshll.u32 s1, $0x11  }
0xbd: {  	s0 =	sor.u32 s1, s0  }
0xbe: {  	s0 =	sadd.s32 $0x8F2B, s0  }
0xbf: {  	[sflag:s0] =	ssyncadd.remote.s32 $0x1  }
0xc0: {  	_ =	sfence.sel $0xFFFF  }
0xc1: {  	[dreg:$0x0] =	wrdreg $0xFFFFFFFF;
	(pc) =	sbr.abs _section_cstart, $3  }
0xc2: {  	[dreg:$0x1] =	wrdreg $0xFFFFFFFF  }
0xc3: {  	_ =	task.clear_ibuf [dreg:s8], $0x2FFFF;
	_ =	strace $0x9FFFFFFF  }
0xc4: {  	(tm) =	ssettm $0x7FFFFFFF  }
0xc5: {  	_ =	shalt  }
tec
execute0_lowered:
.L_overlay_start_1:
0x0: {  	(tag) =	ssettag $0x1  }
0x1: {  	s4 =	rddreg [dreg:$0x0]  }
0x2: {  	s1 =	srdreg.scid;
	s2 =	rddreg [dreg:$0x1]  }
0x3: {  	s0 =	stileid.u32;
	s7 =	rddreg [dreg:$0x2];
	s3 =	simm.s32 $0x0  }
0x4: {  	s11 =	simm.s32 $0x1;
	s12 =	simm.s32 $0x2;
	s13 =	simm.s32 $0x7700  }
0x5: {  	s15 =	simm.s32 $0x80;
	s16 =	simm.s32 $0x400;
	s17 =	simm.s32 $0x4  }
0x6: {  	s18 =	simm.s32 $0x0;
	s5 =	sand.u32 $0x1, s1;
	s28 =	sshll.u32 s0, $0x1  }
0x7: {  	s29 =	sshrl.u32 s0, $0x2;
	s1 =	rddreg [dreg:$0x3];
	s6 =	sor.u32 s5, s28  }
0x8: {  	[smem:$0x7FF] =	sst s3;
	s8 =	smul.u32 $0x14000, s29;
	s9 =	sshll.u32 s6, $0x7  }
0x9: {  	s5 =	ssub.s32 $0x2, s5;
	s6 =	smul.u32 $0x9C4, s6;
	s9 =	sand.u32 $0x380, s9  }
0xa: {  	_ =	strace $0x8000004A;
	s30 =	sshrl.u32 s5, $0x1;
	s8 =	sor.u32 s8, s9  }
0xb: {  	s31 =	sadd.s32 $0x9C4, s6;
	s10 =	sshrl.u32 s6, $0x5;
	s6 =	sand.u32 $0x1FFE0, s6  }
.Ltmp0:
0xc: {  	s8 =	sshrl.u32 s8, $0x3;
	s9 =	sshrl.u32 s31, $0x5;
	(pc) =	sbr.rel .LBB2_1-.Ltmp0, $4  }
0xd: {  	s4 =	sadd.s32 s4, s6;
	s7 =	sadd.s32 s8, s7;
	s8 =	ssub.s32 s5, s30  }
0xe: {  	s14 =	ssub.s32 s9, s10;
	s6 =	sadd.s32 $0x500, s4;
	s9 =	simm.s32 $0x2800  }
0xf: {  	s10 =	simm.s32 $0x5000;
	s5 =	sshll.u32 s14, $0x3;
	s7 =	sadd.s32 $0x1A00, s7  }
0x10: {  	v0 =	vimm.f32 $0.0e+00;
	s8 =	smax.u32 s8, $0x1;
	p0 =	slt.s32 s14, $0x29;
	s14 =	simm.s32 $0x3  }
.LBB2_8:
0x11: {  	_ =	sdelay $0x3  }
0x12: {  	[tilespmem:v2+s13+$0x0] =	vst.idx.add.f32.msk $0xffff, v1  }
.LBB2_9:
0x13: {  	s18 =	sadd.s32 $0x1, s18  }
0x14: {  	p1 =	seq.s32 s18, s8  }
.Ltmp1:
0x15: {  	_ = 	snop;
	(pc) =	sbr.rel @p1 .LBB2_10-.Ltmp1, $4  }
0x16: {  	[hbm4b:s7+s15] =	stream.strided.scatter [tilespmem:s13], [sflag:$0x4], $0x2800, s16, s15, $0x38;
	[tilespmem:$0x9F00] =	vst v63  }
0x17: {  	_ =	swait.ge [sflag:s17], $0x2800  }
0x18: {  	[sflag:s17] =	ssyncset.done $0x0  }
0x19: {  	[sflag:s17] =	ssyncadd.s32 $0xFFFFD800  }
.LBB2_1:
0x1a: {  	[tilespmem:s3], [sflag:$0x1] =	stream.linear.gather [hbm4b:s2+s3], $0x2800, $0x38;
	[tilespmem:$0x9F00] =	vst v63  }
0x1b: {  	_ = 	snop  }
0x1c: {  	[tilespmem:s9], [sflag:$0x2] =	stream.linear.gather [hbm4b:s4+s3], $0x2800, $0x38;
	[tilespmem:$0x9F00] =	vst v63  }
0x1d: {  	s19 =	simm.s32 $0x0;
	s20 =	simm.s32 $0x200  }
0x1e: {  	[tilespmem:s10], [sflag:$0x3] =	stream.linear.gather [hbm4b:s6+s3], $0x2700, $0x38;
	[tilespmem:$0x9F00] =	vst v63  }
.LBB2_2:
0x1f: {  	p1 =	sne.s32 s20, $0x9E00;
	[tilespmem:s19+$0x7770] =	vst v0  }
0x20: {  	[tilespmem:s19+$0x7700] =	vst v0  }
0x21: {  	[tilespmem:s19+$0x7710] =	vst v0  }
.Ltmp2:
0x22: {  	[tilespmem:s19+$0x7720] =	vst v0;
	(pc) =	sbr.rel @p1 .LBB2_2-.Ltmp2, $4  }
0x23: {  	[tilespmem:s19+$0x7730] =	vst v0  }
0x24: {  	[tilespmem:s19+$0x7740] =	vst v0  }
0x25: {  	[tilespmem:s19+$0x7750] =	vst v0  }
0x26: {  	[tilespmem:s19+$0x7760] =	vst v0;
	s19 =	sshra.s32 s20, $0x2;
	s20 =	sadd.s32 $0x200, s20  }
0x27: {  	[tilespmem:s19+$0x7770] =	vst v0  }
0x28: {  	[tilespmem:s19+$0x7700] =	vst v0  }
0x29: {  	[tilespmem:s19+$0x7710] =	vst v0  }
0x2a: {  	[tilespmem:s19+$0x7720] =	vst v0  }
0x2b: {  	[tilespmem:s19+$0x7730] =	vst v0  }
0x2c: {  	[tilespmem:s19+$0x7740] =	vst v0  }
0x2d: {  	[tilespmem:s19+$0x7750] =	vst v0  }
0x2e: {  	[tilespmem:s19+$0x7760] =	vst v0  }
0x2f: {  	_ =	swait.ge [sflag:s11], $0x2800  }
0x30: {  	[sflag:s11] =	ssyncset.done $0x0  }
0x31: {  	[sflag:s11] =	ssyncadd.s32 $0xFFFFD800  }
0x32: {  	_ =	swait.ge [sflag:s12], $0x2800  }
0x33: {  	[sflag:s12] =	ssyncset.done $0x0  }
0x34: {  	s31 =	simm.s32 $0x2880;
	[sflag:s12] =	ssyncadd.s32 $0xFFFFD800  }
0x35: {  	v1 =	vld [tilespmem:s31+$0xFFFFFFF0]  }
0x36: {  	v2 =	vld [tilespmem:s31+$0xFFFFFF90]  }
0x37: {  	v3 =	vld [tilespmem:s31+$0xFFFFFFA0]  }
0x38: {  	v4 =	vld [tilespmem:s31+$0xFFFFFFB0]  }
0x39: {  	v5 =	vld [tilespmem:s31+$0xFFFFFFC0]  }
0x3a: {  	v6 =	vld [tilespmem:s31+$0xFFFFFFD0]  }
0x3b: {  	v7 =	vld [tilespmem:s31+$0x70]  }
0x3c: {  	v8 =	vld [tilespmem:s31+$0xFFFFFFE0]  }
0x3d: {  	v9 =	vld [tilespmem:s31+$0xFFFFFF80]  }
0x3e: {  	v63 =	vld [tilespmem:s31+$0x0]  }
0x3f: {  	v11 =	vld [tilespmem:s31+$0x10]  }
0x40: {  	v12 =	vld [tilespmem:s31+$0x20]  }
0x41: {  	v13 =	vld [tilespmem:s31+$0x30]  }
0x42: {  	v14 =	vld [tilespmem:s31+$0x40]  }
0x43: {  	v15 =	vld [tilespmem:s31+$0x50]  }
0x44: {  	v1 =	vld.idx.msk [tilespmem:v1+s3+$0x0], $0xffff  }
0x45: {  	v10 =	vld.idx.msk [tilespmem:v2+s3+$0x0], $0xffff  }
0x46: {  	v3 =	vld.idx.msk [tilespmem:v3+s3+$0x0], $0xffff  }
0x47: {  	v4 =	vld.idx.msk [tilespmem:v4+s3+$0x0], $0xffff  }
0x48: {  	v5 =	vld.idx.msk [tilespmem:v5+s3+$0x0], $0xffff  }
0x49: {  	v62 =	vld.idx.msk [tilespmem:v9+s3+$0x0], $0xffff  }
0x4a: {  	v6 =	vld.idx.msk [tilespmem:v6+s3+$0x0], $0xffff  }
0x4b: {  	v2 =	vld [tilespmem:s31+$0x60]  }
0x4c: {  	[tilespmem:v7+s13+$0x0] =	vst.idx.add.f32.msk $0xffff, v1  }
0x4d: {  	v1 =	vld.idx.msk [tilespmem:v8+s3+$0x0], $0xffff  }
0x4e: {  	[tilespmem:v63+s13+$0x0] =	vst.idx.add.f32.msk $0xffff, v62  }
0x4f: {  	[tilespmem:v11+s13+$0x0] =	vst.idx.add.f32.msk $0xffff, v10  }
0x50: {  	[tilespmem:v12+s13+$0x0] =	vst.idx.add.f32.msk $0xffff, v3  }
0x51: {  	[tilespmem:v13+s13+$0x0] =	vst.idx.add.f32.msk $0xffff, v4  }
0x52: {  	[tilespmem:v14+s13+$0x0] =	vst.idx.add.f32.msk $0xffff, v5  }
0x53: {  	s19 =	simm.s32 $0x0;
	s20 =	simm.s32 $0x2980;
	[tilespmem:v15+s13+$0x0] =	vst.idx.add.f32.msk $0xffff, v6  }
.LBB2_4:
0x54: {  	v3 =	vld [tilespmem:s20+$0xFFFFFFF0];
	s19 =	sadd.s32 $0x8, s19  }
0x55: {  	v4 =	vld [tilespmem:s20+$0xFFFFFF90];
	p1 =	slt.u32 s19, $0x138  }
0x56: {  	v5 =	vld [tilespmem:s20+$0xFFFFFFA0]  }
0x57: {  	v6 =	vld [tilespmem:s20+$0xFFFFFFB0]  }
0x58: {  	v7 =	vld [tilespmem:s20+$0xFFFFFFC0]  }
0x59: {  	v8 =	vld [tilespmem:s20+$0xFFFFFFD0]  }
0x5a: {  	v9 =	vld [tilespmem:s20+$0x70]  }
0x5b: {  	v10 =	vld [tilespmem:s20+$0xFFFFFFE0]  }
0x5c: {  	v3 =	vld.idx.msk [tilespmem:v3+s3+$0x0], $0xffff  }
0x5d: {  	v11 =	vld [tilespmem:s20+$0xFFFFFF80]  }
0x5e: {  	v4 =	vld.idx.msk [tilespmem:v4+s3+$0x0], $0xffff  }
0x5f: {  	v5 =	vld.idx.msk [tilespmem:v5+s3+$0x0], $0xffff  }
0x60: {  	v6 =	vld.idx.msk [tilespmem:v6+s3+$0x0], $0xffff  }
0x61: {  	v7 =	vld.idx.msk [tilespmem:v7+s3+$0x0], $0xffff  }
0x62: {  	[tilespmem:v9+s13+$0x0] =	vst.idx.add.f32.msk $0xffff, v3  }
0x63: {  	v3 =	vld.idx.msk [tilespmem:v8+s3+$0x0], $0xffff  }
0x64: {  	v8 =	vld.idx.msk [tilespmem:v10+s3+$0x0], $0xffff  }
0x65: {  	v9 =	vld.idx.msk [tilespmem:v11+s3+$0x0], $0xffff  }
0x66: {  	v10 =	vld [tilespmem:s20+$0x0]  }
0x67: {  	v11 =	vld [tilespmem:s20+$0x10]  }
0x68: {  	v12 =	vld [tilespmem:s20+$0x20]  }
0x69: {  	v13 =	vld [tilespmem:s20+$0x30]  }
0x6a: {  	v14 =	vld [tilespmem:s20+$0x40]  }
0x6b: {  	v15 =	vld [tilespmem:s20+$0x50]  }
0x6c: {  	v16 =	vld [tilespmem:s20+$0x60]  }
0x6d: {  	[tilespmem:v2+s13+$0x0] =	vst.idx.add.f32.msk $0xffff, v1;
	v1 =	vmov v8  }
0x6e: {  	[tilespmem:v10+s13+$0x0] =	vst.idx.add.f32.msk $0xffff, v9  }
.Ltmp3:
0x6f: {  	[tilespmem:v11+s13+$0x0] =	vst.idx.add.f32.msk $0xffff, v4;
	(pc) =	sbr.rel @p1 .LBB2_4-.Ltmp3, $4  }
0x70: {  	[tilespmem:v12+s13+$0x0] =	vst.idx.add.f32.msk $0xffff, v5  }
0x71: {  	[tilespmem:v13+s13+$0x0] =	vst.idx.add.f32.msk $0xffff, v6;
	v2 =	vmov v16  }
0x72: {  	[tilespmem:v14+s13+$0x0] =	vst.idx.add.f32.msk $0xffff, v7  }
0x73: {  	s20 =	sadd.s32 $0x100, s20;
	[tilespmem:v15+s13+$0x0] =	vst.idx.add.f32.msk $0xffff, v3  }
0x74: {  	_ =	sdelay $0x2  }
.Ltmp4:
0x75: {  	_ = 	snop;
	(pc) =	sbr.rel @p0 .LBB2_9-.Ltmp4, $4  }
0x76: {  	[tilespmem:v2+s13+$0x0] =	vst.idx.add.f32.msk $0xffff, v1  }
0x77: {  	_ =	swait.ge [sflag:s14], $0x2700  }
0x78: {  	[sflag:s14] =	ssyncset.done $0x0  }
0x79: {  	[sflag:s14] =	ssyncadd.s32 $0xFFFFD900  }
0x7a: {  	s19 =	simm.s32 $0x50F0  }
0x7b: {  	v1 =	vld [tilespmem:s19+$0xFFFFFF80]  }
0x7c: {  	v2 =	vld [tilespmem:s19+$0xFFFFFF20]  }
0x7d: {  	v3 =	vld [tilespmem:s19+$0xFFFFFF30]  }
0x7e: {  	v4 =	vld [tilespmem:s19+$0xFFFFFF40]  }
0x7f: {  	v5 =	vld [tilespmem:s19+$0xFFFFFF50]  }
0x80: {  	v6 =	vld [tilespmem:s19+$0xFFFFFF60]  }
0x81: {  	v7 =	vld [tilespmem:s19+$0x0]  }
0x82: {  	v8 =	vld [tilespmem:s19+$0xFFFFFF70]  }
0x83: {  	v9 =	vld [tilespmem:s19+$0xFFFFFF10]  }
0x84: {  	v63 =	vld [tilespmem:s19+$0xFFFFFF90]  }
0x85: {  	v11 =	vld [tilespmem:s19+$0xFFFFFFA0]  }
0x86: {  	v12 =	vld [tilespmem:s19+$0xFFFFFFB0]  }
0x87: {  	v13 =	vld [tilespmem:s19+$0xFFFFFFC0]  }
0x88: {  	v14 =	vld [tilespmem:s19+$0xFFFFFFD0]  }
0x89: {  	v15 =	vld [tilespmem:s19+$0xFFFFFFE0]  }
0x8a: {  	v1 =	vld.idx.msk [tilespmem:v1+s3+$0x0], $0xffff  }
0x8b: {  	v10 =	vld.idx.msk [tilespmem:v2+s3+$0x0], $0xffff  }
0x8c: {  	v3 =	vld.idx.msk [tilespmem:v3+s3+$0x0], $0xffff  }
0x8d: {  	v4 =	vld.idx.msk [tilespmem:v4+s3+$0x0], $0xffff  }
0x8e: {  	v5 =	vld.idx.msk [tilespmem:v5+s3+$0x0], $0xffff  }
0x8f: {  	v62 =	vld.idx.msk [tilespmem:v9+s3+$0x0], $0xffff  }
0x90: {  	v6 =	vld.idx.msk [tilespmem:v6+s3+$0x0], $0xffff  }
0x91: {  	v2 =	vld [tilespmem:s19+$0xFFFFFFF0]  }
0x92: {  	[tilespmem:v7+s13+$0x0] =	vst.idx.add.f32.msk $0xffff, v1  }
0x93: {  	v1 =	vld.idx.msk [tilespmem:v8+s3+$0x0], $0xffff  }
0x94: {  	p1 =	sgt.s32 s5, $0x148;
	[tilespmem:v63+s13+$0x0] =	vst.idx.add.f32.msk $0xffff, v62  }
.Ltmp5:
0x95: {  	[tilespmem:v11+s13+$0x0] =	vst.idx.add.f32.msk $0xffff, v10;
	(pc) =	sbr.rel @!p1 .LBB2_8-.Ltmp5, $4  }
0x96: {  	[tilespmem:v12+s13+$0x0] =	vst.idx.add.f32.msk $0xffff, v3  }
0x97: {  	[tilespmem:v13+s13+$0x0] =	vst.idx.add.f32.msk $0xffff, v4  }
0x98: {  	[tilespmem:v14+s13+$0x0] =	vst.idx.add.f32.msk $0xffff, v5  }
0x99: {  	s20 =	simm.s32 $0x51F0;
	s19 =	simm.s32 $0x148;
	[tilespmem:v15+s13+$0x0] =	vst.idx.add.f32.msk $0xffff, v6  }
.LBB2_7:
0x9a: {  	v3 =	vld [tilespmem:s20+$0xFFFFFF80];
	s19 =	sadd.s32 $0x8, s19  }
0x9b: {  	v4 =	vld [tilespmem:s20+$0xFFFFFF20];
	p1 =	slt.s32 s19, s5  }
0x9c: {  	v5 =	vld [tilespmem:s20+$0xFFFFFF30]  }
0x9d: {  	v6 =	vld [tilespmem:s20+$0xFFFFFF40]  }
0x9e: {  	v7 =	vld [tilespmem:s20+$0xFFFFFF50]  }
0x9f: {  	v8 =	vld [tilespmem:s20+$0xFFFFFF60]  }
0xa0: {  	v9 =	vld [tilespmem:s20+$0x0]  }
0xa1: {  	v10 =	vld [tilespmem:s20+$0xFFFFFF70]  }
0xa2: {  	v3 =	vld.idx.msk [tilespmem:v3+s3+$0x0], $0xffff  }
0xa3: {  	v11 =	vld [tilespmem:s20+$0xFFFFFF10]  }
0xa4: {  	v4 =	vld.idx.msk [tilespmem:v4+s3+$0x0], $0xffff  }
0xa5: {  	v5 =	vld.idx.msk [tilespmem:v5+s3+$0x0], $0xffff  }
0xa6: {  	v6 =	vld.idx.msk [tilespmem:v6+s3+$0x0], $0xffff  }
0xa7: {  	v7 =	vld.idx.msk [tilespmem:v7+s3+$0x0], $0xffff  }
0xa8: {  	[tilespmem:v9+s13+$0x0] =	vst.idx.add.f32.msk $0xffff, v3  }
0xa9: {  	v3 =	vld.idx.msk [tilespmem:v8+s3+$0x0], $0xffff  }
0xaa: {  	v8 =	vld.idx.msk [tilespmem:v10+s3+$0x0], $0xffff  }
0xab: {  	v9 =	vld.idx.msk [tilespmem:v11+s3+$0x0], $0xffff  }
0xac: {  	v10 =	vld [tilespmem:s20+$0xFFFFFF90]  }
0xad: {  	v11 =	vld [tilespmem:s20+$0xFFFFFFA0]  }
0xae: {  	v12 =	vld [tilespmem:s20+$0xFFFFFFB0]  }
0xaf: {  	v13 =	vld [tilespmem:s20+$0xFFFFFFC0]  }
0xb0: {  	v14 =	vld [tilespmem:s20+$0xFFFFFFD0]  }
0xb1: {  	v15 =	vld [tilespmem:s20+$0xFFFFFFE0]  }
0xb2: {  	v16 =	vld [tilespmem:s20+$0xFFFFFFF0]  }
0xb3: {  	[tilespmem:v2+s13+$0x0] =	vst.idx.add.f32.msk $0xffff, v1;
	v1 =	vmov v8  }
0xb4: {  	[tilespmem:v10+s13+$0x0] =	vst.idx.add.f32.msk $0xffff, v9  }
.Ltmp6:
0xb5: {  	[tilespmem:v11+s13+$0x0] =	vst.idx.add.f32.msk $0xffff, v4;
	(pc) =	sbr.rel @p1 .LBB2_7-.Ltmp6, $4  }
0xb6: {  	[tilespmem:v12+s13+$0x0] =	vst.idx.add.f32.msk $0xffff, v5  }
0xb7: {  	[tilespmem:v13+s13+$0x0] =	vst.idx.add.f32.msk $0xffff, v6;
	v2 =	vmov v16  }
0xb8: {  	[tilespmem:v14+s13+$0x0] =	vst.idx.add.f32.msk $0xffff, v7  }
0xb9: {  	s20 =	sadd.s32 $0x100, s20;
	[tilespmem:v15+s13+$0x0] =	vst.idx.add.f32.msk $0xffff, v3  }
.Ltmp7:
0xba: {  	_ = 	snop;
	(pc) =	sbr.rel .LBB2_8-.Ltmp7, $1  }
0xbb: {  	_ =	sdelay $0x3  }
.LBB2_10:
0xbc: {  	_ =	sfence.sel $0x180000  }
0xbd: {  	[bflag:$0x0] =	sbarrier.arrive $0xFFFF  }
0xbe: {  	p0 =	sne.s32 s0, $0x0;
	_ =	strace $0x9000004A  }
0xbf: {  	s0 =	sadd.s32 @!p0 $0x100000, s1;
	[bflag:$0x2] =	sbarrier.arrive $0xFFFF  }
0xc0: {  	[sflag:s0] =	ssyncadd.tile.s32 @!p0 $0x1;
	_ =	shalt  }
.Lfunc_end2:
_tile_overlayer_lowered:
.L_overlay_start_2:
0xc1: {  	(tag) =	ssettag $0x2  }
0xc2: {  	s0 =	rddreg [dreg:$0x0];
	s2 =	stileid.u32  }
0xc3: {  	s1 =	rddreg [dreg:$0x1];
	p0 =	sne.s32 s2, $0x0  }
0xc4: {  	s3 =	rddreg [dreg:$0x2];
	[bflag:$0x3] =	sbarrier.arrive $0xFFFF;
	s2 =	simm.s32 @!p0 $0x1C04  }
0xc5: {  	[timem:s3], [sflag:s2] =	dma.local @!p0 [hbm:s0], s1  }
0xc6: {  	s0 =	simm.s32 @!p0 $0x4  }
0xc7: {  	_ =	swait.ge @!p0 [sflag:s0], s1  }
0xc8: {  	s1 =	ssub.s32 @!p0 $0x0, s1;
	[sflag:s0] =	ssyncset.done @!p0 $0x0  }
0xc9: {  	[sflag:s0] =	ssyncadd.s32 @!p0 s1  }
0xca: {  	[bflag:$0x3] =	sbarrier.arrive $0xFFFF  }
0xcb: {  	_ =	shalt  }

// kernel: kernel.7.cloned.1.call-start
scs
__scs_entry_jumppad:
0x0: {  	(pc) =	sbr.rel $0x88, $3  }
0x1: {  	(tag) =	ssettag $0x0;
	lr =	simm.s32 $0x1  }
0x2: {  	[smem:$0x3F9E] =	sst lr;
	_ =	strace $0xD0000000  }
0x3: {  	_ = 	snop  }
0x4: {  	_ = 	snop  }
0x5: {  	_ = 	snop  }
0x6: {  	_ = 	snop  }
0x7: {  	_ = 	snop  }
__scs_overlays_trampoline_lowered:
0x8: {  	[smem:$0x3FAD] =	sst s0  }
0x9: {  	[smem:$0x3FAE] =	sst s1  }
0xa: {  	[smem:$0x3FAF] =	sst s2  }
0xb: {  	[smem:$0x3FB0] =	sst s3  }
0xc: {  	[smem:$0x3FB1] =	sst s4  }
0xd: {  	[smem:$0x3FB2] =	sst s5  }
0xe: {  	[smem:$0x3FB3] =	sst s6  }
0xf: {  	[smem:$0x3FB4] =	sst s7  }
0x10: {  	[smem:$0x3FB5] =	sst s8  }
0x11: {  	[smem:$0x3FB6] =	sst s9;
	s0 =	simm.s32 @!p0 $0x0  }
0x12: {  	s1 =	sld [smem:$0x3F9C];
	s0 =	simm.s32 @p0 $0x1  }
0x13: {  	[smem:$0x3FB7] =	sst s0;
	s0 =	simm.s32 @!p1 $0x0  }
0x14: {  	s2 =	sld [smem:$0x3F9B];
	s0 =	simm.s32 @p1 $0x1  }
0x15: {  	[smem:$0x3FB8] =	sst s0;
	s0 =	simm.s32 @!p2 $0x0  }
0x16: {  	s3 =	sld [smem:$0x3FDB];
	s0 =	simm.s32 @p2 $0x1  }
0x17: {  	s4 =	simm.s32 $0x1BF5;
	[smem:$0x3FBA] =	sst s0  }
0x18: {  	s0 =	sld [smem:$0x3F9D];
	_ =	swait.ge [sflag:s4], $0x0  }
0x19: {  	s7 =	sld [smem:$0x3F9E]  }
0x1a: {  	s8 =	sadd.s32 $0xFFFFE003, lr  }
0x1b: {  	s9 =	sadd.s32 $0xFFFFFEF7, lr;
	s5 =	simm.s32 $0xFFFFFFFF;
	p2 =	slt.u32 s8, $0xFFFFF086  }
0x1c: {  	p1 =	slt.u32 s9, $0xF7A;
	s5 =	simm.s32 @!p2 $0x0  }
0x1d: {  	s5 =	simm.s32 @p1 $0x1;
	p0 =	seq.s32 s7, s2  }
0x1e: {  	s7 =	smul.u32 @!p0 $0xF7A, s2;
	p2 =	seq.s32 @!p0 s5, $0x0  }
0x1f: {  	s9 =	smul.u32 $0xF7A, s1;
	s8 =	simm.s32 @!p0 $0x1BF5;
	p2 =	por !p2, p0  }
0x20: {  	[sflag:s8] =	ssyncset.s32 @!p0 $0xFFFFF086;
	s6 =	sadd.s32 @!p0 s3, s7;
	s7 =	simm.s32 @!p0 $0x108  }
0x21: {  	s3 =	sadd.s32 s3, s9;
	s6 =	sadd.s32 @!p0 $0x88, s6;
	s7 =	simm.s32 @p2 $0x1082  }
0x22: {  	[simem:s7], [sflag:s8] =	dma.local @!p0 [hbm:s6], $0xF7A  }
0x23: {  	s9 =	sor.u32 $0xD0000000, s2;
	s6 =	simm.s32 $0x108;
	_ =	swait.ge @!p0 [sflag:s8], $0x0  }
0x24: {  	s3 =	sadd.s32 $0x88, s3;
	s6 =	simm.s32 @!p1 $0x1082;
	[sflag:s4] =	ssyncset.s32 $0xFFFFF086  }
0x25: {  	[simem:s6], [sflag:s4] =	dma.local [hbm:s3], $0xF7A  }
0x26: {  	[smem:$0x3F9E] =	sst s1;
	(tag) =	ssettag s2;
	_ =	strace s9  }
0x27: {  	s1 =	sld [smem:$0x3FAE]  }
0x28: {  	s2 =	sld [smem:$0x3FAF]  }
0x29: {  	s4 =	sld [smem:$0x3FB1]  }
0x2a: {  	p0 =	seq.s32 s5, $0x0;
	s5 =	sld [smem:$0x3FB2]  }
0x2b: {  	s6 =	sld [smem:$0x3FB3]  }
0x2c: {  	s7 =	sld [smem:$0x3FB4]  }
0x2d: {  	s3 =	simm.s32 $0x108;
	s8 =	sld [smem:$0x3FB5]  }
0x2e: {  	s3 =	simm.s32 @!p0 $0x1082;
	s9 =	sld [smem:$0x3FB6]  }
0x2f: {  	lr =	sadd.s32 s0, s3;
	s0 =	sld [smem:$0x3FAD]  }
0x30: {  	s3 =	sld [smem:$0x3FB0]  }
0x31: {  	[smem:$0x3FB9] =	sst s10  }
0x32: {  	s10 =	sld [smem:$0x3FB7];
	_ =	sdelay $0x3  }
0x33: {  	p0 =	seq.s32 s10, $0x1;
	s10 =	sld [smem:$0x3FB9];
	_ =	sdelay $0x3  }
0x34: {  	[smem:$0x3FB9] =	sst s10  }
0x35: {  	s10 =	sld [smem:$0x3FB8];
	_ =	sdelay $0x3  }
0x36: {  	p1 =	seq.s32 s10, $0x1;
	s10 =	sld [smem:$0x3FB9];
	_ =	sdelay $0x3  }
0x37: {  	[smem:$0x3FB9] =	sst s10  }
0x38: {  	s10 =	sld [smem:$0x3FBA]  }
0x39: {  	_ = 	snop;
	(pc) =	sbr.ind lr, $3  }
0x3a: {  	_ = 	snop  }
0x3b: {  	_ = 	snop  }
0x3c: {  	p2 =	seq.s32 s10, $0x1;
	s10 =	sld [smem:$0x3FB9]  }
0x3d: {  	_ =	shalt  }
0x3e: {  	_ =	shalt  }
0x3f: {  	_ =	shalt  }
0x40: {  	_ =	shalt  }
0x41: {  	_ =	shalt  }
0x42: {  	_ =	shalt  }
0x43: {  	_ =	shalt  }
0x44: {  	_ =	shalt  }
0x45: {  	_ =	shalt  }
0x46: {  	_ =	shalt  }
0x47: {  	_ =	shalt  }
0x48: {  	_ =	shalt  }
0x49: {  	_ =	shalt  }
0x4a: {  	_ =	shalt  }
0x4b: {  	_ =	shalt  }
0x4c: {  	_ =	shalt  }
0x4d: {  	_ =	shalt  }
0x4e: {  	_ =	shalt  }
0x4f: {  	_ =	shalt  }
0x50: {  	_ =	shalt  }
0x51: {  	_ =	shalt  }
0x52: {  	_ =	shalt  }
0x53: {  	_ =	shalt  }
0x54: {  	_ =	shalt  }
0x55: {  	_ =	shalt  }
0x56: {  	_ =	shalt  }
0x57: {  	_ =	shalt  }
0x58: {  	_ =	shalt  }
0x59: {  	_ =	shalt  }
0x5a: {  	_ =	shalt  }
0x5b: {  	_ =	shalt  }
0x5c: {  	_ =	shalt  }
0x5d: {  	_ =	shalt  }
0x5e: {  	_ =	shalt  }
0x5f: {  	_ =	shalt  }
0x60: {  	_ =	shalt  }
0x61: {  	_ =	shalt  }
0x62: {  	_ =	shalt  }
0x63: {  	_ =	shalt  }
0x64: {  	_ =	shalt  }
0x65: {  	_ =	shalt  }
0x66: {  	_ =	shalt  }
0x67: {  	_ =	shalt  }
0x68: {  	_ =	shalt  }
0x69: {  	_ =	shalt  }
0x6a: {  	_ =	shalt  }
0x6b: {  	_ =	shalt  }
0x6c: {  	_ =	shalt  }
0x6d: {  	_ =	shalt  }
0x6e: {  	_ =	shalt  }
0x6f: {  	_ =	shalt  }
0x70: {  	_ =	shalt  }
0x71: {  	_ =	shalt  }
0x72: {  	_ =	shalt  }
0x73: {  	_ =	shalt  }
0x74: {  	_ =	shalt  }
0x75: {  	_ =	shalt  }
0x76: {  	_ =	shalt  }
0x77: {  	_ =	shalt  }
0x78: {  	_ =	shalt  }
0x79: {  	_ =	shalt  }
0x7a: {  	_ =	shalt  }
0x7b: {  	_ =	shalt  }
0x7c: {  	_ =	shalt  }
0x7d: {  	_ =	shalt  }
0x7e: {  	_ =	shalt  }
0x7f: {  	_ =	shalt  }
0x80: {  	_ =	shalt  }
0x81: {  	_ =	shalt  }
0x82: {  	_ =	shalt  }
0x83: {  	_ =	shalt  }
0x84: {  	_ =	shalt  }
0x85: {  	_ =	shalt  }
0x86: {  	_ =	shalt  }
0x87: {  	_ =	shalt  }
.Lfunc_end0:
.L_simem_size_0:
called_computation_lowered:
.L_overlay_start_0:
0x88: {  	s2 =	sld [smem:$0x3FD9]  }
0x89: {  	s3 =	sld [smem:$0x3FFE];
	_ =	sdelay $0x1  }
0x8a: {  	s1 =	srdreg.scid  }
0x8b: {  	s0 =	sand.u32 $0x1, s1  }
0x8c: {  	s17 =	sshll.u32 s0, $0xA;
	s2 =	sadd.s32 s3, s2  }
0x8d: {  	s2 =	sadd.s32 s2, s17  }
0x8e: {  	[smem:$0x3FC5] =	sst s2  }
0x8f: {  	_ = 	snop  }
0x90: {  	s2 =	sld [smem:$0x3FC8];
	(tm) =	ssettm $0x1  }
0x91: {  	s18 =	sld [smem:$0x3FFB];
	_ =	sdelay $0x3  }
0x92: {  	_ =	strace s18  }
0x93: {  	s3 =	sld [smem:$0x3FFC];
	_ =	sdelay $0x3  }
0x94: {  	_ =	strace s3  }
0x95: {  	s3 =	sld [smem:$0x3FFD];
	_ =	sdelay $0x3  }
0x96: {  	_ =	strace s3  }
0x97: {  	_ =	strace $0x8FFFFFFF  }
0x98: {  	s19 =	sld [smem:$0x3FDB];
	_ =	sdelay $0x1  }
0x99: {  	s4 =	simm.s32 $_scs_section_size  }
0x9a: {  	s5 =	simm.s32 $_size__tile_overlayer_lowered;
	s6 =	simm.s32 $_tile_overlayer_lowered  }
0x9b: {  	s22 =	simm.s32 $0x1BFF;
	s21 =	sshll.u32 s6, $0x1;
	s3 =	sadd.s32 s4, s19  }
0x9c: {  	s7 =	simm.s32 $0x0;
	s20 =	sshll.u32 s5, $0x1;
	s5 =	sadd.s32 s21, s3  }
0x9d: {  	[timem:s7], [sflag:s22] =	dma.local [hbm:s5], s20  }
0x9e: {  	_ =	swait.ge [sflag:s22], s20  }
0x9f: {  	s4 =	ssub.s32 $0x0, s20;
	[sflag:s22] =	ssyncset.done $0x0  }
0xa0: {  	[sflag:s22] =	ssyncadd.s32 s4;
	_ =	sdelay $0x1  }
0xa1: {  	s23 =	simm.s32 $0x1B8B  }
0xa2: {  	_ =	swait.ge [sflag:s23], $0x1  }
0xa3: {  	[sflag:s23] =	ssyncset.done $0x0  }
0xa4: {  	s25 =	simm.s32 $0x1B8E;
	s24 =	sld [smem:$0x3FFE];
	[sflag:s23] =	ssyncadd.s32 $0xFFFFFFFF  }
0xa5: {  	s26 =	simm.s32 $execute0_lowered;
	[smem:$0x3FD2] =	sst s25  }
0xa6: {  	s5 =	sshll.u32 s26, $0x1;
	_ =	strace $0x80000046;
	[dreg:$0x1] =	wrdreg $0xFFFFFFFF  }
0xa7: {  	s28 =	simm.s32 $_size_execute0_lowered;
	s3 =	sadd.s32 s3, s5;
	[dreg:$0x0] =	wrdreg $0x0  }
0xa8: {  	s5 =	sshll.u32 s28, $0x1;
	[dreg:$0x2] =	wrdreg s3  }
0xa9: {  	[dreg:$0x3] =	wrdreg s5  }
0xaa: {  	[dreg:$0x4] =	wrdreg $0xC0  }
0xab: {  	_ =	task [dreg:s7], $0x5FFFF  }
0xac: {  	[dreg:$0x1] =	wrdreg $0xFFFFFFFF  }
0xad: {  	[dreg:$0x0] =	wrdreg $0x60  }
0xae: {  	[dreg:$0x2] =	wrdreg s2  }
0xaf: {  	[dreg:$0x3] =	wrdreg s24  }
0xb0: {  	[dreg:$0x4] =	wrdreg $0x9  }
0xb1: {  	_ =	task.clear_ibuf [dreg:s7], $0x5FFFF;
	_ =	strace $0x90000046  }
0xb2: {  	s29 =	simm.s32 $0x9;
	_ =	strace $0x80000048  }
0xb3: {  	_ =	swait.ge [sflag:s29], $0x1  }
0xb4: {  	[sflag:s29] =	ssyncadd.s32 $0xFFFFFFFF  }
0xb5: {  	_ =	strace $0x90000048  }
0xb6: {  	_ =	sfence  }
0xb7: {  	s30 =	sld [smem:$0x0];
	_ =	sdelay $0x2  }
0xb8: {  	s31 =	sshll.u32 s1, $0xD;
	s1 =	sshrl.u32 s1, $0x2  }
0xb9: {  	s3 =	sand.u32 $0x4000, s31;
	s1 =	sadd.s32 s1, s30  }
0xba: {  	s0 =	sor.u32 s3, s0;
	s1 =	sshll.u32 s1, $0x11  }
0xbb: {  	s0 =	sor.u32 s1, s0  }
0xbc: {  	s0 =	sadd.s32 $0x8F2B, s0  }
0xbd: {  	[sflag:s0] =	ssyncadd.remote.s32 $0x1  }
0xbe: {  	_ =	sfence.sel $0xFFFF  }
0xbf: {  	[dreg:$0x0] =	wrdreg $0xFFFFFFFF;
	(pc) =	sbr.abs _section_cstart, $3  }
0xc0: {  	[dreg:$0x1] =	wrdreg $0xFFFFFFFF  }
0xc1: {  	_ =	task.clear_ibuf [dreg:s7], $0x2FFFF;
	_ =	strace $0x9FFFFFFF  }
0xc2: {  	(tm) =	ssettm $0x7FFFFFFF  }
0xc3: {  	_ =	shalt  }
tec
execute0_lowered:
.L_overlay_start_1:
0x0: {  	(tag) =	ssettag $0x1  }
0x1: {  	s1 =	srdreg.scid  }
0x2: {  	s0 =	stileid.u32;
	s4 =	rddreg [dreg:$0x0]  }
0x3: {  	s6 =	rddreg [dreg:$0x1];
	s10 =	simm.s32 $0x4F00;
	s12 =	simm.s32 $0x80  }
0x4: {  	s13 =	simm.s32 $0x400;
	s14 =	simm.s32 $0x3;
	s15 =	simm.s32 $0x0  }
0x5: {  	s3 =	sand.u32 $0x1, s1;
	s26 =	sshll.u32 s0, $0x1;
	s28 =	sshrl.u32 s0, $0x2  }
0x6: {  	s1 =	rddreg [dreg:$0x2];
	s5 =	sor.u32 s3, s26;
	s7 =	smul.u32 $0x14000, s28  }
0x7: {  	s3 =	ssub.s32 $0x2, s3;
	s2 =	sshll.u32 s5, $0x7;
	s5 =	smul.u32 $0x9C4, s5  }
0x8: {  	s9 =	sshrl.u32 s3, $0x1;
	s8 =	sand.u32 $0x380, s2;
	s2 =	simm.s32 $0x0  }
0x9: {  	s31 =	ssub.s32 s3, s9;
	s9 =	simm.s32 $0x1;
	s7 =	sor.u32 s7, s8  }
0xa: {  	[smem:$0x7FF] =	sst s2;
	s29 =	sadd.s32 $0x9C4, s5;
	s30 =	sshrl.u32 s5, $0x5  }
.Ltmp0:
0xb: {  	s5 =	sand.u32 $0x1FFE0, s5;
	s8 =	simm.s32 $0x2800;
	(pc) =	sbr.rel .LBB2_1-.Ltmp0, $4  }
0xc: {  	s7 =	sshrl.u32 s7, $0x3;
	_ =	strace $0x80000047;
	s4 =	sadd.s32 s4, s5  }
0xd: {  	s6 =	sadd.s32 s7, s6;
	s7 =	sshrl.u32 s29, $0x5;
	s5 =	sadd.s32 $0x500, s4  }
0xe: {  	s11 =	ssub.s32 s7, s30;
	s6 =	sadd.s32 $0x1A00, s6;
	s7 =	smax.u32 s31, $0x1  }
0xf: {  	v0 =	vimm.f32 $0.0e+00;
	v1 =	vimm.f32 $1.000000000e+00;
	s3 =	sshll.u32 s11, $0x3;
	p0 =	slt.s32 s11, $0x29;
	s11 =	simm.s32 $0x2  }
.LBB2_8:
0x10: {  	_ =	sdelay $0x3  }
0x11: {  	[tilespmem:v2+s10+$0x0] =	vst.idx.add.f32.msk $0xffff, v1  }
.LBB2_9:
0x12: {  	s15 =	sadd.s32 $0x1, s15  }
0x13: {  	p1 =	seq.s32 s15, s7  }
.Ltmp1:
0x14: {  	_ = 	snop;
	(pc) =	sbr.rel @p1 .LBB2_10-.Ltmp1, $4  }
0x15: {  	[hbm4b:s6+s12] =	stream.strided.scatter [tilespmem:s10], [sflag:$0x3], $0x2800, s13, s12, $0x38;
	[tilespmem:$0x7700] =	vst v63  }
0x16: {  	_ =	swait.ge [sflag:s14], $0x2800  }
0x17: {  	[sflag:s14] =	ssyncset.done $0x0  }
0x18: {  	[sflag:s14] =	ssyncadd.s32 $0xFFFFD800  }
.LBB2_1:
0x19: {  	[tilespmem:s2], [sflag:$0x1] =	stream.linear.gather [hbm4b:s4+s2], $0x2800, $0x38;
	[tilespmem:$0x7700] =	vst v63  }
0x1a: {  	s16 =	simm.s32 $0x0;
	s17 =	simm.s32 $0x200  }
0x1b: {  	[tilespmem:s8], [sflag:$0x2] =	stream.linear.gather [hbm4b:s5+s2], $0x2700, $0x38;
	[tilespmem:$0x7700] =	vst v63  }
.LBB2_2:
0x1c: {  	p1 =	sne.s32 s17, $0x9E00;
	[tilespmem:s16+$0x4F70] =	vst v0  }
0x1d: {  	[tilespmem:s16+$0x4F00] =	vst v0  }
0x1e: {  	[tilespmem:s16+$0x4F10] =	vst v0  }
.Ltmp2:
0x1f: {  	[tilespmem:s16+$0x4F20] =	vst v0;
	(pc) =	sbr.rel @p1 .LBB2_2-.Ltmp2, $4  }
0x20: {  	[tilespmem:s16+$0x4F30] =	vst v0  }
0x21: {  	[tilespmem:s16+$0x4F40] =	vst v0  }
0x22: {  	[tilespmem:s16+$0x4F50] =	vst v0  }
0x23: {  	[tilespmem:s16+$0x4F60] =	vst v0;
	s16 =	sshra.s32 s17, $0x2;
	s17 =	sadd.s32 $0x200, s17  }
0x24: {  	[tilespmem:s16+$0x4F70] =	vst v0  }
0x25: {  	[tilespmem:s16+$0x4F00] =	vst v0  }
0x26: {  	[tilespmem:s16+$0x4F10] =	vst v0  }
0x27: {  	[tilespmem:s16+$0x4F20] =	vst v0  }
0x28: {  	[tilespmem:s16+$0x4F30] =	vst v0  }
0x29: {  	[tilespmem:s16+$0x4F40] =	vst v0  }
0x2a: {  	[tilespmem:s16+$0x4F50] =	vst v0  }
0x2b: {  	[tilespmem:s16+$0x4F60] =	vst v0  }
0x2c: {  	_ =	swait.ge [sflag:s9], $0x2800  }
0x2d: {  	[sflag:s9] =	ssyncset.done $0x0  }
0x2e: {  	s16 =	simm.s32 $0xF0;
	[sflag:s9] =	ssyncadd.s32 $0xFFFFD800  }
0x2f: {  	v3 =	vld [tilespmem:s16+$0xFFFFFF90]  }
0x30: {  	v4 =	vld [tilespmem:s16+$0x0]  }
0x31: {  	v5 =	vld [tilespmem:s16+$0xFFFFFFF0]  }
0x32: {  	v6 =	vld [tilespmem:s16+$0xFFFFFFE0]  }
0x33: {  	v7 =	vld [tilespmem:s16+$0xFFFFFFD0]  }
0x34: {  	v8 =	vld [tilespmem:s16+$0xFFFFFFC0]  }
0x35: {  	v9 =	vld [tilespmem:s16+$0xFFFFFFB0]  }
0x36: {  	v2 =	vld [tilespmem:s16+$0xFFFFFFA0]  }
0x37: {  	[tilespmem:v3+s10+$0x0] =	vst.idx.add.f32.msk $0xffff, v1  }
0x38: {  	[tilespmem:v4+s10+$0x0] =	vst.idx.add.f32.msk $0xffff, v1  }
0x39: {  	[tilespmem:v5+s10+$0x0] =	vst.idx.add.f32.msk $0xffff, v1  }
0x3a: {  	[tilespmem:v6+s10+$0x0] =	vst.idx.add.f32.msk $0xffff, v1  }
0x3b: {  	[tilespmem:v7+s10+$0x0] =	vst.idx.add.f32.msk $0xffff, v1  }
0x3c: {  	[tilespmem:v8+s10+$0x0] =	vst.idx.add.f32.msk $0xffff, v1  }
0x3d: {  	s17 =	simm.s32 $0x0;
	[tilespmem:v9+s10+$0x0] =	vst.idx.add.f32.msk $0xffff, v1  }
.LBB2_4:
0x3e: {  	s17 =	sadd.s32 $0x8, s17;
	[tilespmem:v2+s10+$0x0] =	vst.idx.add.f32.msk $0xffff, v1;
	s16 =	sadd.s32 $0x100, s16  }
0x3f: {  	v3 =	vld [tilespmem:s16+$0xFFFFFF90];
	p1 =	slt.u32 s17, $0x138  }
0x40: {  	v4 =	vld [tilespmem:s16+$0x0]  }
0x41: {  	v5 =	vld [tilespmem:s16+$0xFFFFFFF0]  }
0x42: {  	v6 =	vld [tilespmem:s16+$0xFFFFFFE0]  }
0x43: {  	v7 =	vld [tilespmem:s16+$0xFFFFFFD0]  }
0x44: {  	v8 =	vld [tilespmem:s16+$0xFFFFFFC0]  }
0x45: {  	v9 =	vld [tilespmem:s16+$0xFFFFFFB0]  }
0x46: {  	v2 =	vld [tilespmem:s16+$0xFFFFFFA0]  }
0x47: {  	[tilespmem:v3+s10+$0x0] =	vst.idx.add.f32.msk $0xffff, v1  }
0x48: {  	[tilespmem:v4+s10+$0x0] =	vst.idx.add.f32.msk $0xffff, v1  }
.Ltmp3:
0x49: {  	[tilespmem:v5+s10+$0x0] =	vst.idx.add.f32.msk $0xffff, v1;
	(pc) =	sbr.rel @p1 .LBB2_4-.Ltmp3, $4  }
0x4a: {  	[tilespmem:v6+s10+$0x0] =	vst.idx.add.f32.msk $0xffff, v1  }
0x4b: {  	[tilespmem:v7+s10+$0x0] =	vst.idx.add.f32.msk $0xffff, v1  }
0x4c: {  	[tilespmem:v8+s10+$0x0] =	vst.idx.add.f32.msk $0xffff, v1  }
0x4d: {  	[tilespmem:v9+s10+$0x0] =	vst.idx.add.f32.msk $0xffff, v1  }
0x4e: {  	_ =	sdelay $0x2  }
.Ltmp4:
0x4f: {  	_ = 	snop;
	(pc) =	sbr.rel @p0 .LBB2_9-.Ltmp4, $4  }
0x50: {  	[tilespmem:v2+s10+$0x0] =	vst.idx.add.f32.msk $0xffff, v1  }
0x51: {  	_ =	swait.ge [sflag:s11], $0x2700  }
0x52: {  	[sflag:s11] =	ssyncset.done $0x0  }
0x53: {  	[sflag:s11] =	ssyncadd.s32 $0xFFFFD900  }
0x54: {  	s16 =	simm.s32 $0x28F0  }
0x55: {  	v3 =	vld [tilespmem:s16+$0xFFFFFF90]  }
0x56: {  	v4 =	vld [tilespmem:s16+$0x0]  }
0x57: {  	v5 =	vld [tilespmem:s16+$0xFFFFFFF0]  }
0x58: {  	v6 =	vld [tilespmem:s16+$0xFFFFFFE0]  }
0x59: {  	v7 =	vld [tilespmem:s16+$0xFFFFFFD0]  }
0x5a: {  	v8 =	vld [tilespmem:s16+$0xFFFFFFC0]  }
0x5b: {  	v9 =	vld [tilespmem:s16+$0xFFFFFFB0]  }
0x5c: {  	v2 =	vld [tilespmem:s16+$0xFFFFFFA0]  }
0x5d: {  	[tilespmem:v3+s10+$0x0] =	vst.idx.add.f32.msk $0xffff, v1  }
0x5e: {  	p1 =	sgt.s32 s3, $0x148;
	[tilespmem:v4+s10+$0x0] =	vst.idx.add.f32.msk $0xffff, v1  }
.Ltmp5:
0x5f: {  	[tilespmem:v5+s10+$0x0] =	vst.idx.add.f32.msk $0xffff, v1;
	(pc) =	sbr.rel @!p1 .LBB2_8-.Ltmp5, $4  }
0x60: {  	[tilespmem:v6+s10+$0x0] =	vst.idx.add.f32.msk $0xffff, v1  }
0x61: {  	[tilespmem:v7+s10+$0x0] =	vst.idx.add.f32.msk $0xffff, v1  }
0x62: {  	[tilespmem:v8+s10+$0x0] =	vst.idx.add.f32.msk $0xffff, v1  }
0x63: {  	s17 =	simm.s32 $0x148;
	[tilespmem:v9+s10+$0x0] =	vst.idx.add.f32.msk $0xffff, v1  }
.LBB2_7:
0x64: {  	s17 =	sadd.s32 $0x8, s17;
	[tilespmem:v2+s10+$0x0] =	vst.idx.add.f32.msk $0xffff, v1;
	s16 =	sadd.s32 $0x100, s16  }
0x65: {  	v3 =	vld [tilespmem:s16+$0xFFFFFF90];
	p1 =	slt.s32 s17, s3  }
0x66: {  	v4 =	vld [tilespmem:s16+$0x0]  }
0x67: {  	v5 =	vld [tilespmem:s16+$0xFFFFFFF0]  }
0x68: {  	v6 =	vld [tilespmem:s16+$0xFFFFFFE0]  }
0x69: {  	v7 =	vld [tilespmem:s16+$0xFFFFFFD0]  }
0x6a: {  	v8 =	vld [tilespmem:s16+$0xFFFFFFC0]  }
0x6b: {  	v9 =	vld [tilespmem:s16+$0xFFFFFFB0]  }
0x6c: {  	v2 =	vld [tilespmem:s16+$0xFFFFFFA0]  }
0x6d: {  	[tilespmem:v3+s10+$0x0] =	vst.idx.add.f32.msk $0xffff, v1  }
0x6e: {  	[tilespmem:v4+s10+$0x0] =	vst.idx.add.f32.msk $0xffff, v1  }
.Ltmp6:
0x6f: {  	[tilespmem:v5+s10+$0x0] =	vst.idx.add.f32.msk $0xffff, v1;
	(pc) =	sbr.rel @p1 .LBB2_7-.Ltmp6, $4  }
0x70: {  	[tilespmem:v6+s10+$0x0] =	vst.idx.add.f32.msk $0xffff, v1  }
0x71: {  	[tilespmem:v7+s10+$0x0] =	vst.idx.add.f32.msk $0xffff, v1  }
0x72: {  	[tilespmem:v8+s10+$0x0] =	vst.idx.add.f32.msk $0xffff, v1  }
0x73: {  	[tilespmem:v9+s10+$0x0] =	vst.idx.add.f32.msk $0xffff, v1  }
.Ltmp7:
0x74: {  	_ = 	snop;
	(pc) =	sbr.rel .LBB2_8-.Ltmp7, $1  }
0x75: {  	_ =	sdelay $0x3  }
.LBB2_10:
0x76: {  	_ =	sfence.sel $0x180000  }
0x77: {  	[bflag:$0x0] =	sbarrier.arrive $0xFFFF  }
0x78: {  	p0 =	sne.s32 s0, $0x0;
	_ =	strace $0x90000047  }
0x79: {  	s0 =	sadd.s32 @!p0 $0x100000, s1;
	[bflag:$0x2] =	sbarrier.arrive $0xFFFF  }
0x7a: {  	[sflag:s0] =	ssyncadd.tile.s32 @!p0 $0x1;
	_ =	shalt  }
.Lfunc_end2:
_tile_overlayer_lowered:
.L_overlay_start_2:
0x7b: {  	(tag) =	ssettag $0x2  }
0x7c: {  	s0 =	rddreg [dreg:$0x0];
	s2 =	stileid.u32  }
0x7d: {  	s1 =	rddreg [dreg:$0x1];
	p0 =	sne.s32 s2, $0x0  }
0x7e: {  	s3 =	rddreg [dreg:$0x2];
	[bflag:$0x3] =	sbarrier.arrive $0xFFFF;
	s2 =	simm.s32 @!p0 $0x1C03  }
0x7f: {  	[timem:s3], [sflag:s2] =	dma.local @!p0 [hbm:s0], s1  }
0x80: {  	s0 =	simm.s32 @!p0 $0x3  }
0x81: {  	_ =	swait.ge @!p0 [sflag:s0], s1  }
0x82: {  	s1 =	ssub.s32 @!p0 $0x0, s1;
	[sflag:s0] =	ssyncset.done @!p0 $0x0  }
0x83: {  	[sflag:s0] =	ssyncadd.s32 @!p0 s1  }
0x84: {  	[bflag:$0x3] =	sbarrier.arrive $0xFFFF  }
0x85: {  	_ =	shalt  }

</sc_bundles>
